<compile_context>
chip_gen: v7x
topology: tpu7x:2x2x1
jax: 0.10.2.dev20260603
libtpu: 0.0.44.dev20260713+nightly
codegen_flags: <defaults>
</compile_context>

<pallas_src>
import jax
import jax.numpy as jnp
from jax import lax
from jax.experimental import pallas as pl
from jax.experimental.pallas import tpu as pltpu
from jax.experimental.pallas import tpu_sc as plsc

EMBED = 64
GROUP = 8
NC, NS = 2, 16
NW = NC * NS


def _make_gather(n_sent: int, s_len: int):
    sent_per_w = n_sent // NW
    n_groups = sent_per_w // GROUP
    assert n_sent % NW == 0 and sent_per_w % GROUP == 0 and n_groups % 2 == 0
    mesh = plsc.VectorSubcoreMesh(core_axis_name="c", subcore_axis_name="s",
                                  num_cores=NC, num_subcores=NS)

    def body(idx_hbm, tab, out_hbm, idx_v, buf0, buf1, sem):
        wid = lax.axis_index("s") * NC + lax.axis_index("c")
        base = wid * sent_per_w
        bufs = (buf0, buf1)

        pltpu.sync_copy(idx_hbm.at[pl.ds(base, sent_per_w)], idx_v)

        def fire(g, buf):
            for j in range(GROUP):
                pltpu.async_copy(
                    tab.at[idx_v.at[g * GROUP + j]],
                    buf.at[pl.ds(j * s_len, s_len)], sem)

        def drain(buf):
            pltpu.make_async_copy(
                tab.at[pl.ds(0, GROUP * s_len)], buf, sem).wait()

        fire(0, bufs[0])

        @pl.loop(0, n_groups, step=2)
        def _(g):
            for b in range(2):
                gg = g + b
                drain(bufs[b])

                @pl.when(gg + 1 < n_groups)
                def _():
                    fire(gg + 1, bufs[1 - b])

                pltpu.sync_copy(
                    bufs[b],
                    out_hbm.at[pl.ds((base + gg * GROUP) * s_len,
                                     GROUP * s_len)])

    out_sd = jax.ShapeDtypeStruct((n_sent * s_len, EMBED), jnp.float32)
    return pl.kernel(
        body,
        out_type=out_sd,
        mesh=mesh,
        scratch_types=[
            pltpu.VMEM((sent_per_w, s_len), jnp.int32),
            pltpu.VMEM((GROUP * s_len, EMBED), jnp.float32),
            pltpu.VMEM((GROUP * s_len, EMBED), jnp.float32),
            pltpu.SemaphoreType.DMA,
        ],
        compiler_params=pltpu.CompilerParams(use_tc_tiling_on_sc=False),
    )


def kernel(src_indices, tgt_indices, src_table, tgt_table):
    b, s = src_indices.shape
    lookup = _make_gather(b, s)
    out_src = lookup(src_indices.astype(jnp.int32), src_table)
    out_tgt = lookup(tgt_indices.astype(jnp.int32), tgt_table)
    return (out_src.reshape(b, s, EMBED), out_tgt.reshape(b, s, EMBED))

# --- scband reference (transcript-rebuilt; emitter-appended) ---
"""Pipeline reference for scband-model-embeddings-49039936586191 (READ-ONLY COPY).

The authoritative reference and input builder live on the scoring server;
editing this copy changes nothing except your own understanding.
"""

import jax, jax.numpy as jnp
import numpy as np

SRC_VOCAB = 100000
TGT_VOCAB = 100000
EMBED = 64
PAD_IDX = 0

def setup_inputs(seed: int = 0) -> dict:
    key = jax.random.key(seed)
    k1, k2, k3, k4 = jax.random.split(key, 4)
    src_indices = jax.random.randint(k1, (4096, 50), 0, SRC_VOCAB, dtype=jnp.int64 if jax.config.jax_enable_x64 else jnp.int32)
    tgt_indices = jax.random.randint(k2, (4096, 50), 0, TGT_VOCAB, dtype=jnp.int64 if jax.config.jax_enable_x64 else jnp.int32)
    src_table = jax.random.normal(k3, (SRC_VOCAB, EMBED), dtype=jnp.float32)
    tgt_table = jax.random.normal(k4, (TGT_VOCAB, EMBED), dtype=jnp.float32)
    # padding_idx row is initialized to zeros in nn.Embedding
    src_table = src_table.at[PAD_IDX].set(0.0)
    tgt_table = tgt_table.at[PAD_IDX].set(0.0)
    return {"src_indices": src_indices, "tgt_indices": tgt_indices, "src_table": src_table, "tgt_table": tgt_table}

def reference(src_indices, tgt_indices, src_table, tgt_table):
    # ModelEmbeddings holds self.source and self.target nn.Embedding layers;
    # the lookup is table[idx] (a gather). padding_idx row stays zero.
    src_emb = jnp.take(src_table, src_indices, axis=0)
    tgt_emb = jnp.take(tgt_table, tgt_indices, axis=0)
    return (src_emb, tgt_emb)

if __name__ == "__main__":
    import jax
    _d = setup_inputs()
    print(jax.jit(kernel)(*tuple(_d.values())))

</pallas_src>

<mosaic_0001>
#map = affine_map<(d0, d1) -> (0, 0)>
module attributes {stable_mosaic.version = 14 : i64} {
  func.func @body(%arg0: i32, %arg1: i32, %arg2: memref<4096x50xi32, #tpu.memory_space<hbm>>, %arg3: memref<100000x64xf32, #tpu.memory_space<hbm>>, %arg4: memref<204800x64xf32, #tpu.memory_space<hbm>>, %arg5: memref<128x50xi32, #tpu.memory_space<vmem>>, %arg6: memref<400x64xf32, #tpu.memory_space<vmem>>, %arg7: memref<400x64xf32, #tpu.memory_space<vmem>>, %arg8: memref<!tpu.dma_semaphore, #tpu.memory_space<semaphore_mem>>) attributes {dimension_semantics = [#tpu.dimension_semantics<core_parallel>, #tpu.dimension_semantics<subcore_parallel>], iteration_bounds = array<i64: 2, 16>, scalar_prefetch = 0 : i64, scratch_operands = 4 : i64, tpu.core_type = #tpu.core_type<sc_vector_subcore>, window_params = [{transform_indices = #map}, {transform_indices = #map}, {transform_indices = #map}]} {
    %mul3A = arith.constant 2 : i32
    %mul3A_0 = arith.muli %arg1, %mul3A : i32
    %add3A = arith.addi %mul3A_0, %arg0 : i32
    %mul3A_1 = arith.constant 128 : i32
    %mul3A_2 = arith.muli %add3A, %mul3A_1 : i32
    "tpu.region"() ({
      %run_scoped3A = tpu.sem_alloc : memref<!tpu.dma_semaphore, #tpu.memory_space<semaphore_mem>>
      %dma_start3A_86 = arith.constant 0 : i32
      %dma_start3A_87 = tpu.memref_slice %arg2[%mul3A_2, %dma_start3A_86] : memref<4096x50xi32, #tpu.memory_space<hbm>> -> memref<128x50xi32, #tpu.memory_space<hbm>>
      %dma_start3A_88 = arith.constant 0 : i32
      %dma_start3A_89 = tpu.memref_slice %arg2[%mul3A_2, %dma_start3A_88] : memref<4096x50xi32, #tpu.memory_space<hbm>> -> memref<128x50xi32, #tpu.memory_space<hbm>>
      tpu.enqueue_dma source(%dma_start3A_89 : memref<128x50xi32, #tpu.memory_space<hbm>>) target(%arg5 : memref<128x50xi32, #tpu.memory_space<vmem>>) target_semaphore(%run_scoped3A : memref<!tpu.dma_semaphore, #tpu.memory_space<semaphore_mem>>)
      %dma_wait3A = arith.constant 0 : i32
      %dma_wait3A_90 = tpu.memref_slice %arg2[%mul3A_2, %dma_wait3A] : memref<4096x50xi32, #tpu.memory_space<hbm>> -> memref<128x50xi32, #tpu.memory_space<hbm>>
      %dma_wait3A_91 = arith.constant 0 : i32
      %dma_wait3A_92 = tpu.memref_slice %arg2[%mul3A_2, %dma_wait3A_91] : memref<4096x50xi32, #tpu.memory_space<hbm>> -> memref<128x50xi32, #tpu.memory_space<hbm>>
      tpu.wait_dma2 semaphore(%run_scoped3A : memref<!tpu.dma_semaphore, #tpu.memory_space<semaphore_mem>>) src(%dma_wait3A_92 : memref<128x50xi32, #tpu.memory_space<hbm>>) dst(%arg5 : memref<128x50xi32, #tpu.memory_space<vmem>>)
      tpu.yield
    }) : () -> ()
    %dma_start3A = arith.constant 0 : i32
    %dma_start3A_3 = arith.constant 0 : i32
    %dma_start3A_4 = arith.constant 0 : i32
    %dma_start3A_5 = tpu.memref_slice %arg6[%dma_start3A_3, %dma_start3A_4] : memref<400x64xf32, #tpu.memory_space<vmem>> -> memref<50x64xf32, #tpu.memory_space<vmem>>
    %dma_start3A_6 = arith.constant 0 : i32
    %dma_start3A_7 = tpu.memref_slice %arg5[%dma_start3A, %dma_start3A_6] : memref<128x50xi32, #tpu.memory_space<vmem>> -> memref<1x50xi32, #tpu.memory_space<vmem>>
    %dma_start3A_8 = tpu.memref_squeeze %dma_start3A_7 : memref<1x50xi32, #tpu.memory_space<vmem>> -> memref<50xi32, #tpu.memory_space<vmem>>
    %dma_start3A_9 = arith.constant 0 : i32
    %dma_start3A_10 = arith.constant 0 : i32
    %dma_start3A_11 = tpu.memref_slice %arg3[%dma_start3A_9, %dma_start3A_10] : memref<100000x64xf32, #tpu.memory_space<hbm>> -> memref<100000x64xf32, #tpu.memory_space<hbm>>
    tpu.enqueue_indirect_dma source(%dma_start3A_11 : memref<100000x64xf32, #tpu.memory_space<hbm>>) target(%dma_start3A_5 : memref<50x64xf32, #tpu.memory_space<vmem>>) offsets(%dma_start3A_8 : memref<50xi32, #tpu.memory_space<vmem>>) semaphore(%arg8 : memref<!tpu.dma_semaphore, #tpu.memory_space<semaphore_mem>>)
    %dma_start3A_12 = arith.constant 1 : i32
    %dma_start3A_13 = arith.constant 50 : i32
    %dma_start3A_14 = arith.constant 0 : i32
    %dma_start3A_15 = tpu.memref_slice %arg6[%dma_start3A_13, %dma_start3A_14] : memref<400x64xf32, #tpu.memory_space<vmem>> -> memref<50x64xf32, #tpu.memory_space<vmem>>
    %dma_start3A_16 = arith.constant 0 : i32
    %dma_start3A_17 = tpu.memref_slice %arg5[%dma_start3A_12, %dma_start3A_16] : memref<128x50xi32, #tpu.memory_space<vmem>> -> memref<1x50xi32, #tpu.memory_space<vmem>>
    %dma_start3A_18 = tpu.memref_squeeze %dma_start3A_17 : memref<1x50xi32, #tpu.memory_space<vmem>> -> memref<50xi32, #tpu.memory_space<vmem>>
    %dma_start3A_19 = arith.constant 0 : i32
    %dma_start3A_20 = arith.constant 0 : i32
    %dma_start3A_21 = tpu.memref_slice %arg3[%dma_start3A_19, %dma_start3A_20] : memref<100000x64xf32, #tpu.memory_space<hbm>> -> memref<100000x64xf32, #tpu.memory_space<hbm>>
    tpu.enqueue_indirect_dma source(%dma_start3A_21 : memref<100000x64xf32, #tpu.memory_space<hbm>>) target(%dma_start3A_15 : memref<50x64xf32, #tpu.memory_space<vmem>>) offsets(%dma_start3A_18 : memref<50xi32, #tpu.memory_space<vmem>>) semaphore(%arg8 : memref<!tpu.dma_semaphore, #tpu.memory_space<semaphore_mem>>)
    %dma_start3A_22 = arith.constant 2 : i32
    %dma_start3A_23 = arith.constant 100 : i32
    %dma_start3A_24 = arith.constant 0 : i32
    %dma_start3A_25 = tpu.memref_slice %arg6[%dma_start3A_23, %dma_start3A_24] : memref<400x64xf32, #tpu.memory_space<vmem>> -> memref<50x64xf32, #tpu.memory_space<vmem>>
    %dma_start3A_26 = arith.constant 0 : i32
    %dma_start3A_27 = tpu.memref_slice %arg5[%dma_start3A_22, %dma_start3A_26] : memref<128x50xi32, #tpu.memory_space<vmem>> -> memref<1x50xi32, #tpu.memory_space<vmem>>
    %dma_start3A_28 = tpu.memref_squeeze %dma_start3A_27 : memref<1x50xi32, #tpu.memory_space<vmem>> -> memref<50xi32, #tpu.memory_space<vmem>>
    %dma_start3A_29 = arith.constant 0 : i32
    %dma_start3A_30 = arith.constant 0 : i32
    %dma_start3A_31 = tpu.memref_slice %arg3[%dma_start3A_29, %dma_start3A_30] : memref<100000x64xf32, #tpu.memory_space<hbm>> -> memref<100000x64xf32, #tpu.memory_space<hbm>>
    tpu.enqueue_indirect_dma source(%dma_start3A_31 : memref<100000x64xf32, #tpu.memory_space<hbm>>) target(%dma_start3A_25 : memref<50x64xf32, #tpu.memory_space<vmem>>) offsets(%dma_start3A_28 : memref<50xi32, #tpu.memory_space<vmem>>) semaphore(%arg8 : memref<!tpu.dma_semaphore, #tpu.memory_space<semaphore_mem>>)
    %dma_start3A_32 = arith.constant 3 : i32
    %dma_start3A_33 = arith.constant 150 : i32
    %dma_start3A_34 = arith.constant 0 : i32
    %dma_start3A_35 = tpu.memref_slice %arg6[%dma_start3A_33, %dma_start3A_34] : memref<400x64xf32, #tpu.memory_space<vmem>> -> memref<50x64xf32, #tpu.memory_space<vmem>>
    %dma_start3A_36 = arith.constant 0 : i32
    %dma_start3A_37 = tpu.memref_slice %arg5[%dma_start3A_32, %dma_start3A_36] : memref<128x50xi32, #tpu.memory_space<vmem>> -> memref<1x50xi32, #tpu.memory_space<vmem>>
    %dma_start3A_38 = tpu.memref_squeeze %dma_start3A_37 : memref<1x50xi32, #tpu.memory_space<vmem>> -> memref<50xi32, #tpu.memory_space<vmem>>
    %dma_start3A_39 = arith.constant 0 : i32
    %dma_start3A_40 = arith.constant 0 : i32
    %dma_start3A_41 = tpu.memref_slice %arg3[%dma_start3A_39, %dma_start3A_40] : memref<100000x64xf32, #tpu.memory_space<hbm>> -> memref<100000x64xf32, #tpu.memory_space<hbm>>
    tpu.enqueue_indirect_dma source(%dma_start3A_41 : memref<100000x64xf32, #tpu.memory_space<hbm>>) target(%dma_start3A_35 : memref<50x64xf32, #tpu.memory_space<vmem>>) offsets(%dma_start3A_38 : memref<50xi32, #tpu.memory_space<vmem>>) semaphore(%arg8 : memref<!tpu.dma_semaphore, #tpu.memory_space<semaphore_mem>>)
    %dma_start3A_42 = arith.constant 4 : i32
    %dma_start3A_43 = arith.constant 200 : i32
    %dma_start3A_44 = arith.constant 0 : i32
    %dma_start3A_45 = tpu.memref_slice %arg6[%dma_start3A_43, %dma_start3A_44] : memref<400x64xf32, #tpu.memory_space<vmem>> -> memref<50x64xf32, #tpu.memory_space<vmem>>
    %dma_start3A_46 = arith.constant 0 : i32
    %dma_start3A_47 = tpu.memref_slice %arg5[%dma_start3A_42, %dma_start3A_46] : memref<128x50xi32, #tpu.memory_space<vmem>> -> memref<1x50xi32, #tpu.memory_space<vmem>>
    %dma_start3A_48 = tpu.memref_squeeze %dma_start3A_47 : memref<1x50xi32, #tpu.memory_space<vmem>> -> memref<50xi32, #tpu.memory_space<vmem>>
    %dma_start3A_49 = arith.constant 0 : i32
    %dma_start3A_50 = arith.constant 0 : i32
    %dma_start3A_51 = tpu.memref_slice %arg3[%dma_start3A_49, %dma_start3A_50] : memref<100000x64xf32, #tpu.memory_space<hbm>> -> memref<100000x64xf32, #tpu.memory_space<hbm>>
    tpu.enqueue_indirect_dma source(%dma_start3A_51 : memref<100000x64xf32, #tpu.memory_space<hbm>>) target(%dma_start3A_45 : memref<50x64xf32, #tpu.memory_space<vmem>>) offsets(%dma_start3A_48 : memref<50xi32, #tpu.memory_space<vmem>>) semaphore(%arg8 : memref<!tpu.dma_semaphore, #tpu.memory_space<semaphore_mem>>)
    %dma_start3A_52 = arith.constant 5 : i32
    %dma_start3A_53 = arith.constant 250 : i32
    %dma_start3A_54 = arith.constant 0 : i32
    %dma_start3A_55 = tpu.memref_slice %arg6[%dma_start3A_53, %dma_start3A_54] : memref<400x64xf32, #tpu.memory_space<vmem>> -> memref<50x64xf32, #tpu.memory_space<vmem>>
    %dma_start3A_56 = arith.constant 0 : i32
    %dma_start3A_57 = tpu.memref_slice %arg5[%dma_start3A_52, %dma_start3A_56] : memref<128x50xi32, #tpu.memory_space<vmem>> -> memref<1x50xi32, #tpu.memory_space<vmem>>
    %dma_start3A_58 = tpu.memref_squeeze %dma_start3A_57 : memref<1x50xi32, #tpu.memory_space<vmem>> -> memref<50xi32, #tpu.memory_space<vmem>>
    %dma_start3A_59 = arith.constant 0 : i32
    %dma_start3A_60 = arith.constant 0 : i32
    %dma_start3A_61 = tpu.memref_slice %arg3[%dma_start3A_59, %dma_start3A_60] : memref<100000x64xf32, #tpu.memory_space<hbm>> -> memref<100000x64xf32, #tpu.memory_space<hbm>>
    tpu.enqueue_indirect_dma source(%dma_start3A_61 : memref<100000x64xf32, #tpu.memory_space<hbm>>) target(%dma_start3A_55 : memref<50x64xf32, #tpu.memory_space<vmem>>) offsets(%dma_start3A_58 : memref<50xi32, #tpu.memory_space<vmem>>) semaphore(%arg8 : memref<!tpu.dma_semaphore, #tpu.memory_space<semaphore_mem>>)
    %dma_start3A_62 = arith.constant 6 : i32
    %dma_start3A_63 = arith.constant 300 : i32
    %dma_start3A_64 = arith.constant 0 : i32
    %dma_start3A_65 = tpu.memref_slice %arg6[%dma_start3A_63, %dma_start3A_64] : memref<400x64xf32, #tpu.memory_space<vmem>> -> memref<50x64xf32, #tpu.memory_space<vmem>>
    %dma_start3A_66 = arith.constant 0 : i32
    %dma_start3A_67 = tpu.memref_slice %arg5[%dma_start3A_62, %dma_start3A_66] : memref<128x50xi32, #tpu.memory_space<vmem>> -> memref<1x50xi32, #tpu.memory_space<vmem>>
    %dma_start3A_68 = tpu.memref_squeeze %dma_start3A_67 : memref<1x50xi32, #tpu.memory_space<vmem>> -> memref<50xi32, #tpu.memory_space<vmem>>
    %dma_start3A_69 = arith.constant 0 : i32
    %dma_start3A_70 = arith.constant 0 : i32
    %dma_start3A_71 = tpu.memref_slice %arg3[%dma_start3A_69, %dma_start3A_70] : memref<100000x64xf32, #tpu.memory_space<hbm>> -> memref<100000x64xf32, #tpu.memory_space<hbm>>
    tpu.enqueue_indirect_dma source(%dma_start3A_71 : memref<100000x64xf32, #tpu.memory_space<hbm>>) target(%dma_start3A_65 : memref<50x64xf32, #tpu.memory_space<vmem>>) offsets(%dma_start3A_68 : memref<50xi32, #tpu.memory_space<vmem>>) semaphore(%arg8 : memref<!tpu.dma_semaphore, #tpu.memory_space<semaphore_mem>>)
    %dma_start3A_72 = arith.constant 7 : i32
    %dma_start3A_73 = arith.constant 350 : i32
    %dma_start3A_74 = arith.constant 0 : i32
    %dma_start3A_75 = tpu.memref_slice %arg6[%dma_start3A_73, %dma_start3A_74] : memref<400x64xf32, #tpu.memory_space<vmem>> -> memref<50x64xf32, #tpu.memory_space<vmem>>
    %dma_start3A_76 = arith.constant 0 : i32
    %dma_start3A_77 = tpu.memref_slice %arg5[%dma_start3A_72, %dma_start3A_76] : memref<128x50xi32, #tpu.memory_space<vmem>> -> memref<1x50xi32, #tpu.memory_space<vmem>>
    %dma_start3A_78 = tpu.memref_squeeze %dma_start3A_77 : memref<1x50xi32, #tpu.memory_space<vmem>> -> memref<50xi32, #tpu.memory_space<vmem>>
    %dma_start3A_79 = arith.constant 0 : i32
    %dma_start3A_80 = arith.constant 0 : i32
    %dma_start3A_81 = tpu.memref_slice %arg3[%dma_start3A_79, %dma_start3A_80] : memref<100000x64xf32, #tpu.memory_space<hbm>> -> memref<100000x64xf32, #tpu.memory_space<hbm>>
    tpu.enqueue_indirect_dma source(%dma_start3A_81 : memref<100000x64xf32, #tpu.memory_space<hbm>>) target(%dma_start3A_75 : memref<50x64xf32, #tpu.memory_space<vmem>>) offsets(%dma_start3A_78 : memref<50xi32, #tpu.memory_space<vmem>>) semaphore(%arg8 : memref<!tpu.dma_semaphore, #tpu.memory_space<semaphore_mem>>)
    %scan3A = arith.constant 0 : i32
    %scan3A_82 = arith.constant 8 : i32
    %scan3A_83 = arith.addi %scan3A, %scan3A_82 : i32
    %scan3A_84 = arith.constant 1 : i32
    scf.for %scan3A_86 = %scan3A to %scan3A_83 step %scan3A_84  : i32 {
      %mul3A_87 = arith.constant 2 : i32
      %mul3A_88 = arith.muli %scan3A_86, %mul3A_87 : i32
      %add3A_89 = arith.constant 0 : i32
      %add3A_90 = arith.addi %add3A_89, %mul3A_88 : i32
      %add3A_91 = arith.constant 0 : i32
      %add3A_92 = arith.addi %add3A_90, %add3A_91 : i32
      %dma_wait3A = arith.constant 0 : i32
      %dma_wait3A_93 = arith.constant 0 : i32
      %dma_wait3A_94 = tpu.memref_slice %arg3[%dma_wait3A, %dma_wait3A_93] : memref<100000x64xf32, #tpu.memory_space<hbm>> -> memref<400x64xf32, #tpu.memory_space<hbm>>
      %dma_wait3A_95 = arith.constant 0 : i32
      %dma_wait3A_96 = arith.constant 0 : i32
      %dma_wait3A_97 = tpu.memref_slice %arg3[%dma_wait3A_95, %dma_wait3A_96] : memref<100000x64xf32, #tpu.memory_space<hbm>> -> memref<400x64xf32, #tpu.memory_space<hbm>>
      tpu.wait_dma2 semaphore(%arg8 : memref<!tpu.dma_semaphore, #tpu.memory_space<semaphore_mem>>) src(%dma_wait3A_97 : memref<400x64xf32, #tpu.memory_space<hbm>>) dst(%arg6 : memref<400x64xf32, #tpu.memory_space<vmem>>)
      %add3A_98 = arith.constant 1 : i32
      %add3A_99 = arith.addi %add3A_92, %add3A_98 : i32
      %lt3A = arith.constant 16 : i32
      %lt3A_100 = arith.cmpi slt, %add3A_99, %lt3A : i32
      %convert_element_type3A = arith.extui %lt3A_100 : i1 to i32
      %cond3A = arith.constant 0 : i32
      %cond3A_101 = arith.cmpi ne, %convert_element_type3A, %cond3A : i32
      scf.if %cond3A_101 {
        %add3A_127 = arith.constant 1 : i32
        %add3A_128 = arith.addi %add3A_92, %add3A_127 : i32
        %mul3A_129 = arith.constant 8 : i32
        %mul3A_130 = arith.muli %add3A_128, %mul3A_129 : i32
        %add3A_131 = arith.constant 0 : i32
        %add3A_132 = arith.addi %mul3A_130, %add3A_131 : i32
        %dma_start3A_133 = arith.constant 0 : i32
        %dma_start3A_134 = arith.constant 0 : i32
        %dma_start3A_135 = tpu.memref_slice %arg7[%dma_start3A_133, %dma_start3A_134] : memref<400x64xf32, #tpu.memory_space<vmem>> -> memref<50x64xf32, #tpu.memory_space<vmem>>
        %dma_start3A_136 = arith.constant 0 : i32
        %dma_start3A_137 = tpu.memref_slice %arg5[%add3A_132, %dma_start3A_136] : memref<128x50xi32, #tpu.memory_space<vmem>> -> memref<1x50xi32, #tpu.memory_space<vmem>>
        %dma_start3A_138 = tpu.memref_squeeze %dma_start3A_137 : memref<1x50xi32, #tpu.memory_space<vmem>> -> memref<50xi32, #tpu.memory_space<vmem>>
        %dma_start3A_139 = arith.constant 0 : i32
        %dma_start3A_140 = arith.constant 0 : i32
        %dma_start3A_141 = tpu.memref_slice %arg3[%dma_start3A_139, %dma_start3A_140] : memref<100000x64xf32, #tpu.memory_space<hbm>> -> memref<100000x64xf32, #tpu.memory_space<hbm>>
        tpu.enqueue_indirect_dma source(%dma_start3A_141 : memref<100000x64xf32, #tpu.memory_space<hbm>>) target(%dma_start3A_135 : memref<50x64xf32, #tpu.memory_space<vmem>>) offsets(%dma_start3A_138 : memref<50xi32, #tpu.memory_space<vmem>>) semaphore(%arg8 : memref<!tpu.dma_semaphore, #tpu.memory_space<semaphore_mem>>)
        %mul3A_142 = arith.constant 8 : i32
        %mul3A_143 = arith.muli %add3A_128, %mul3A_142 : i32
        %add3A_144 = arith.constant 1 : i32
        %add3A_145 = arith.addi %mul3A_143, %add3A_144 : i32
        %dma_start3A_146 = arith.constant 50 : i32
        %dma_start3A_147 = arith.constant 0 : i32
        %dma_start3A_148 = tpu.memref_slice %arg7[%dma_start3A_146, %dma_start3A_147] : memref<400x64xf32, #tpu.memory_space<vmem>> -> memref<50x64xf32, #tpu.memory_space<vmem>>
        %dma_start3A_149 = arith.constant 0 : i32
        %dma_start3A_150 = tpu.memref_slice %arg5[%add3A_145, %dma_start3A_149] : memref<128x50xi32, #tpu.memory_space<vmem>> -> memref<1x50xi32, #tpu.memory_space<vmem>>
        %dma_start3A_151 = tpu.memref_squeeze %dma_start3A_150 : memref<1x50xi32, #tpu.memory_space<vmem>> -> memref<50xi32, #tpu.memory_space<vmem>>
        %dma_start3A_152 = arith.constant 0 : i32
        %dma_start3A_153 = arith.constant 0 : i32
        %dma_start3A_154 = tpu.memref_slice %arg3[%dma_start3A_152, %dma_start3A_153] : memref<100000x64xf32, #tpu.memory_space<hbm>> -> memref<100000x64xf32, #tpu.memory_space<hbm>>
        tpu.enqueue_indirect_dma source(%dma_start3A_154 : memref<100000x64xf32, #tpu.memory_space<hbm>>) target(%dma_start3A_148 : memref<50x64xf32, #tpu.memory_space<vmem>>) offsets(%dma_start3A_151 : memref<50xi32, #tpu.memory_space<vmem>>) semaphore(%arg8 : memref<!tpu.dma_semaphore, #tpu.memory_space<semaphore_mem>>)
        %mul3A_155 = arith.constant 8 : i32
        %mul3A_156 = arith.muli %add3A_128, %mul3A_155 : i32
        %add3A_157 = arith.constant 2 : i32
        %add3A_158 = arith.addi %mul3A_156, %add3A_157 : i32
        %dma_start3A_159 = arith.constant 100 : i32
        %dma_start3A_160 = arith.constant 0 : i32
        %dma_start3A_161 = tpu.memref_slice %arg7[%dma_start3A_159, %dma_start3A_160] : memref<400x64xf32, #tpu.memory_space<vmem>> -> memref<50x64xf32, #tpu.memory_space<vmem>>
        %dma_start3A_162 = arith.constant 0 : i32
        %dma_start3A_163 = tpu.memref_slice %arg5[%add3A_158, %dma_start3A_162] : memref<128x50xi32, #tpu.memory_space<vmem>> -> memref<1x50xi32, #tpu.memory_space<vmem>>
        %dma_start3A_164 = tpu.memref_squeeze %dma_start3A_163 : memref<1x50xi32, #tpu.memory_space<vmem>> -> memref<50xi32, #tpu.memory_space<vmem>>
        %dma_start3A_165 = arith.constant 0 : i32
        %dma_start3A_166 = arith.constant 0 : i32
        %dma_start3A_167 = tpu.memref_slice %arg3[%dma_start3A_165, %dma_start3A_166] : memref<100000x64xf32, #tpu.memory_space<hbm>> -> memref<100000x64xf32, #tpu.memory_space<hbm>>
        tpu.enqueue_indirect_dma source(%dma_start3A_167 : memref<100000x64xf32, #tpu.memory_space<hbm>>) target(%dma_start3A_161 : memref<50x64xf32, #tpu.memory_space<vmem>>) offsets(%dma_start3A_164 : memref<50xi32, #tpu.memory_space<vmem>>) semaphore(%arg8 : memref<!tpu.dma_semaphore, #tpu.memory_space<semaphore_mem>>)
        %mul3A_168 = arith.constant 8 : i32
        %mul3A_169 = arith.muli %add3A_128, %mul3A_168 : i32
        %add3A_170 = arith.constant 3 : i32
        %add3A_171 = arith.addi %mul3A_169, %add3A_170 : i32
        %dma_start3A_172 = arith.constant 150 : i32
        %dma_start3A_173 = arith.constant 0 : i32
        %dma_start3A_174 = tpu.memref_slice %arg7[%dma_start3A_172, %dma_start3A_173] : memref<400x64xf32, #tpu.memory_space<vmem>> -> memref<50x64xf32, #tpu.memory_space<vmem>>
        %dma_start3A_175 = arith.constant 0 : i32
        %dma_start3A_176 = tpu.memref_slice %arg5[%add3A_171, %dma_start3A_175] : memref<128x50xi32, #tpu.memory_space<vmem>> -> memref<1x50xi32, #tpu.memory_space<vmem>>
        %dma_start3A_177 = tpu.memref_squeeze %dma_start3A_176 : memref<1x50xi32, #tpu.memory_space<vmem>> -> memref<50xi32, #tpu.memory_space<vmem>>
        %dma_start3A_178 = arith.constant 0 : i32
        %dma_start3A_179 = arith.constant 0 : i32
        %dma_start3A_180 = tpu.memref_slice %arg3[%dma_start3A_178, %dma_start3A_179] : memref<100000x64xf32, #tpu.memory_space<hbm>> -> memref<100000x64xf32, #tpu.memory_space<hbm>>
        tpu.enqueue_indirect_dma source(%dma_start3A_180 : memref<100000x64xf32, #tpu.memory_space<hbm>>) target(%dma_start3A_174 : memref<50x64xf32, #tpu.memory_space<vmem>>) offsets(%dma_start3A_177 : memref<50xi32, #tpu.memory_space<vmem>>) semaphore(%arg8 : memref<!tpu.dma_semaphore, #tpu.memory_space<semaphore_mem>>)
        %mul3A_181 = arith.constant 8 : i32
        %mul3A_182 = arith.muli %add3A_128, %mul3A_181 : i32
        %add3A_183 = arith.constant 4 : i32
        %add3A_184 = arith.addi %mul3A_182, %add3A_183 : i32
        %dma_start3A_185 = arith.constant 200 : i32
        %dma_start3A_186 = arith.constant 0 : i32
        %dma_start3A_187 = tpu.memref_slice %arg7[%dma_start3A_185, %dma_start3A_186] : memref<400x64xf32, #tpu.memory_space<vmem>> -> memref<50x64xf32, #tpu.memory_space<vmem>>
        %dma_start3A_188 = arith.constant 0 : i32
        %dma_start3A_189 = tpu.memref_slice %arg5[%add3A_184, %dma_start3A_188] : memref<128x50xi32, #tpu.memory_space<vmem>> -> memref<1x50xi32, #tpu.memory_space<vmem>>
        %dma_start3A_190 = tpu.memref_squeeze %dma_start3A_189 : memref<1x50xi32, #tpu.memory_space<vmem>> -> memref<50xi32, #tpu.memory_space<vmem>>
        %dma_start3A_191 = arith.constant 0 : i32
        %dma_start3A_192 = arith.constant 0 : i32
        %dma_start3A_193 = tpu.memref_slice %arg3[%dma_start3A_191, %dma_start3A_192] : memref<100000x64xf32, #tpu.memory_space<hbm>> -> memref<100000x64xf32, #tpu.memory_space<hbm>>
        tpu.enqueue_indirect_dma source(%dma_start3A_193 : memref<100000x64xf32, #tpu.memory_space<hbm>>) target(%dma_start3A_187 : memref<50x64xf32, #tpu.memory_space<vmem>>) offsets(%dma_start3A_190 : memref<50xi32, #tpu.memory_space<vmem>>) semaphore(%arg8 : memref<!tpu.dma_semaphore, #tpu.memory_space<semaphore_mem>>)
        %mul3A_194 = arith.constant 8 : i32
        %mul3A_195 = arith.muli %add3A_128, %mul3A_194 : i32
        %add3A_196 = arith.constant 5 : i32
        %add3A_197 = arith.addi %mul3A_195, %add3A_196 : i32
        %dma_start3A_198 = arith.constant 250 : i32
        %dma_start3A_199 = arith.constant 0 : i32
        %dma_start3A_200 = tpu.memref_slice %arg7[%dma_start3A_198, %dma_start3A_199] : memref<400x64xf32, #tpu.memory_space<vmem>> -> memref<50x64xf32, #tpu.memory_space<vmem>>
        %dma_start3A_201 = arith.constant 0 : i32
        %dma_start3A_202 = tpu.memref_slice %arg5[%add3A_197, %dma_start3A_201] : memref<128x50xi32, #tpu.memory_space<vmem>> -> memref<1x50xi32, #tpu.memory_space<vmem>>
        %dma_start3A_203 = tpu.memref_squeeze %dma_start3A_202 : memref<1x50xi32, #tpu.memory_space<vmem>> -> memref<50xi32, #tpu.memory_space<vmem>>
        %dma_start3A_204 = arith.constant 0 : i32
        %dma_start3A_205 = arith.constant 0 : i32
        %dma_start3A_206 = tpu.memref_slice %arg3[%dma_start3A_204, %dma_start3A_205] : memref<100000x64xf32, #tpu.memory_space<hbm>> -> memref<100000x64xf32, #tpu.memory_space<hbm>>
        tpu.enqueue_indirect_dma source(%dma_start3A_206 : memref<100000x64xf32, #tpu.memory_space<hbm>>) target(%dma_start3A_200 : memref<50x64xf32, #tpu.memory_space<vmem>>) offsets(%dma_start3A_203 : memref<50xi32, #tpu.memory_space<vmem>>) semaphore(%arg8 : memref<!tpu.dma_semaphore, #tpu.memory_space<semaphore_mem>>)
        %mul3A_207 = arith.constant 8 : i32
        %mul3A_208 = arith.muli %add3A_128, %mul3A_207 : i32
        %add3A_209 = arith.constant 6 : i32
        %add3A_210 = arith.addi %mul3A_208, %add3A_209 : i32
        %dma_start3A_211 = arith.constant 300 : i32
        %dma_start3A_212 = arith.constant 0 : i32
        %dma_start3A_213 = tpu.memref_slice %arg7[%dma_start3A_211, %dma_start3A_212] : memref<400x64xf32, #tpu.memory_space<vmem>> -> memref<50x64xf32, #tpu.memory_space<vmem>>
        %dma_start3A_214 = arith.constant 0 : i32
        %dma_start3A_215 = tpu.memref_slice %arg5[%add3A_210, %dma_start3A_214] : memref<128x50xi32, #tpu.memory_space<vmem>> -> memref<1x50xi32, #tpu.memory_space<vmem>>
        %dma_start3A_216 = tpu.memref_squeeze %dma_start3A_215 : memref<1x50xi32, #tpu.memory_space<vmem>> -> memref<50xi32, #tpu.memory_space<vmem>>
        %dma_start3A_217 = arith.constant 0 : i32
        %dma_start3A_218 = arith.constant 0 : i32
        %dma_start3A_219 = tpu.memref_slice %arg3[%dma_start3A_217, %dma_start3A_218] : memref<100000x64xf32, #tpu.memory_space<hbm>> -> memref<100000x64xf32, #tpu.memory_space<hbm>>
        tpu.enqueue_indirect_dma source(%dma_start3A_219 : memref<100000x64xf32, #tpu.memory_space<hbm>>) target(%dma_start3A_213 : memref<50x64xf32, #tpu.memory_space<vmem>>) offsets(%dma_start3A_216 : memref<50xi32, #tpu.memory_space<vmem>>) semaphore(%arg8 : memref<!tpu.dma_semaphore, #tpu.memory_space<semaphore_mem>>)
        %mul3A_220 = arith.constant 8 : i32
        %mul3A_221 = arith.muli %add3A_128, %mul3A_220 : i32
        %add3A_222 = arith.constant 7 : i32
        %add3A_223 = arith.addi %mul3A_221, %add3A_222 : i32
        %dma_start3A_224 = arith.constant 350 : i32
        %dma_start3A_225 = arith.constant 0 : i32
        %dma_start3A_226 = tpu.memref_slice %arg7[%dma_start3A_224, %dma_start3A_225] : memref<400x64xf32, #tpu.memory_space<vmem>> -> memref<50x64xf32, #tpu.memory_space<vmem>>
        %dma_start3A_227 = arith.constant 0 : i32
        %dma_start3A_228 = tpu.memref_slice %arg5[%add3A_223, %dma_start3A_227] : memref<128x50xi32, #tpu.memory_space<vmem>> -> memref<1x50xi32, #tpu.memory_space<vmem>>
        %dma_start3A_229 = tpu.memref_squeeze %dma_start3A_228 : memref<1x50xi32, #tpu.memory_space<vmem>> -> memref<50xi32, #tpu.memory_space<vmem>>
        %dma_start3A_230 = arith.constant 0 : i32
        %dma_start3A_231 = arith.constant 0 : i32
        %dma_start3A_232 = tpu.memref_slice %arg3[%dma_start3A_230, %dma_start3A_231] : memref<100000x64xf32, #tpu.memory_space<hbm>> -> memref<100000x64xf32, #tpu.memory_space<hbm>>
        tpu.enqueue_indirect_dma source(%dma_start3A_232 : memref<100000x64xf32, #tpu.memory_space<hbm>>) target(%dma_start3A_226 : memref<50x64xf32, #tpu.memory_space<vmem>>) offsets(%dma_start3A_229 : memref<50xi32, #tpu.memory_space<vmem>>) semaphore(%arg8 : memref<!tpu.dma_semaphore, #tpu.memory_space<semaphore_mem>>)
      } else {
      }
      %mul3A_102 = arith.constant 8 : i32
      %mul3A_103 = arith.muli %add3A_92, %mul3A_102 : i32
      %add3A_104 = arith.addi %mul3A_2, %mul3A_103 : i32
      %mul3A_105 = arith.constant 50 : i32
      %mul3A_106 = arith.muli %add3A_104, %mul3A_105 : i32
      "tpu.region"() ({
        %run_scoped3A = tpu.sem_alloc : memref<!tpu.dma_semaphore, #tpu.memory_space<semaphore_mem>>
        %dma_start3A_127 = arith.constant 0 : i32
        %dma_start3A_128 = tpu.memref_slice %arg4[%mul3A_106, %dma_start3A_127] : memref<204800x64xf32, #tpu.memory_space<hbm>> -> memref<400x64xf32, #tpu.memory_space<hbm>>
        %dma_start3A_129 = arith.constant 0 : i32
        %dma_start3A_130 = tpu.memref_slice %arg4[%mul3A_106, %dma_start3A_129] : memref<204800x64xf32, #tpu.memory_space<hbm>> -> memref<400x64xf32, #tpu.memory_space<hbm>>
        tpu.enqueue_dma source(%arg6 : memref<400x64xf32, #tpu.memory_space<vmem>>) target(%dma_start3A_130 : memref<400x64xf32, #tpu.memory_space<hbm>>) target_semaphore(%run_scoped3A : memref<!tpu.dma_semaphore, #tpu.memory_space<semaphore_mem>>)
        %dma_wait3A_131 = arith.constant 0 : i32
        %dma_wait3A_132 = tpu.memref_slice %arg4[%mul3A_106, %dma_wait3A_131] : memref<204800x64xf32, #tpu.memory_space<hbm>> -> memref<400x64xf32, #tpu.memory_space<hbm>>
        %dma_wait3A_133 = arith.constant 0 : i32
        %dma_wait3A_134 = tpu.memref_slice %arg4[%mul3A_106, %dma_wait3A_133] : memref<204800x64xf32, #tpu.memory_space<hbm>> -> memref<400x64xf32, #tpu.memory_space<hbm>>
        tpu.wait_dma2 semaphore(%run_scoped3A : memref<!tpu.dma_semaphore, #tpu.memory_space<semaphore_mem>>) src(%arg6 : memref<400x64xf32, #tpu.memory_space<vmem>>) dst(%dma_wait3A_134 : memref<400x64xf32, #tpu.memory_space<hbm>>)
        tpu.yield
      }) : () -> ()
      %add3A_107 = arith.constant 1 : i32
      %add3A_108 = arith.addi %add3A_90, %add3A_107 : i32
      %dma_wait3A_109 = arith.constant 0 : i32
      %dma_wait3A_110 = arith.constant 0 : i32
      %dma_wait3A_111 = tpu.memref_slice %arg3[%dma_wait3A_109, %dma_wait3A_110] : memref<100000x64xf32, #tpu.memory_space<hbm>> -> memref<400x64xf32, #tpu.memory_space<hbm>>
      %dma_wait3A_112 = arith.constant 0 : i32
      %dma_wait3A_113 = arith.constant 0 : i32
      %dma_wait3A_114 = tpu.memref_slice %arg3[%dma_wait3A_112, %dma_wait3A_113] : memref<100000x64xf32, #tpu.memory_space<hbm>> -> memref<400x64xf32, #tpu.memory_space<hbm>>
      tpu.wait_dma2 semaphore(%arg8 : memref<!tpu.dma_semaphore, #tpu.memory_space<semaphore_mem>>) src(%dma_wait3A_114 : memref<400x64xf32, #tpu.memory_space<hbm>>) dst(%arg7 : memref<400x64xf32, #tpu.memory_space<vmem>>)
      %add3A_115 = arith.constant 1 : i32
      %add3A_116 = arith.addi %add3A_108, %add3A_115 : i32
      %lt3A_117 = arith.constant 16 : i32
      %lt3A_118 = arith.cmpi slt, %add3A_116, %lt3A_117 : i32
      %convert_element_type3A_119 = arith.extui %lt3A_118 : i1 to i32
      %cond3A_120 = arith.constant 0 : i32
      %cond3A_121 = arith.cmpi ne, %convert_element_type3A_119, %cond3A_120 : i32
      scf.if %cond3A_121 {
        %add3A_127 = arith.constant 1 : i32
        %add3A_128 = arith.addi %add3A_108, %add3A_127 : i32
        %mul3A_129 = arith.constant 8 : i32
        %mul3A_130 = arith.muli %add3A_128, %mul3A_129 : i32
        %add3A_131 = arith.constant 0 : i32
        %add3A_132 = arith.addi %mul3A_130, %add3A_131 : i32
        %dma_start3A_133 = arith.constant 0 : i32
        %dma_start3A_134 = arith.constant 0 : i32
        %dma_start3A_135 = tpu.memref_slice %arg6[%dma_start3A_133, %dma_start3A_134] : memref<400x64xf32, #tpu.memory_space<vmem>> -> memref<50x64xf32, #tpu.memory_space<vmem>>
        %dma_start3A_136 = arith.constant 0 : i32
        %dma_start3A_137 = tpu.memref_slice %arg5[%add3A_132, %dma_start3A_136] : memref<128x50xi32, #tpu.memory_space<vmem>> -> memref<1x50xi32, #tpu.memory_space<vmem>>
        %dma_start3A_138 = tpu.memref_squeeze %dma_start3A_137 : memref<1x50xi32, #tpu.memory_space<vmem>> -> memref<50xi32, #tpu.memory_space<vmem>>
        %dma_start3A_139 = arith.constant 0 : i32
        %dma_start3A_140 = arith.constant 0 : i32
        %dma_start3A_141 = tpu.memref_slice %arg3[%dma_start3A_139, %dma_start3A_140] : memref<100000x64xf32, #tpu.memory_space<hbm>> -> memref<100000x64xf32, #tpu.memory_space<hbm>>
        tpu.enqueue_indirect_dma source(%dma_start3A_141 : memref<100000x64xf32, #tpu.memory_space<hbm>>) target(%dma_start3A_135 : memref<50x64xf32, #tpu.memory_space<vmem>>) offsets(%dma_start3A_138 : memref<50xi32, #tpu.memory_space<vmem>>) semaphore(%arg8 : memref<!tpu.dma_semaphore, #tpu.memory_space<semaphore_mem>>)
        %mul3A_142 = arith.constant 8 : i32
        %mul3A_143 = arith.muli %add3A_128, %mul3A_142 : i32
        %add3A_144 = arith.constant 1 : i32
        %add3A_145 = arith.addi %mul3A_143, %add3A_144 : i32
        %dma_start3A_146 = arith.constant 50 : i32
        %dma_start3A_147 = arith.constant 0 : i32
        %dma_start3A_148 = tpu.memref_slice %arg6[%dma_start3A_146, %dma_start3A_147] : memref<400x64xf32, #tpu.memory_space<vmem>> -> memref<50x64xf32, #tpu.memory_space<vmem>>
        %dma_start3A_149 = arith.constant 0 : i32
        %dma_start3A_150 = tpu.memref_slice %arg5[%add3A_145, %dma_start3A_149] : memref<128x50xi32, #tpu.memory_space<vmem>> -> memref<1x50xi32, #tpu.memory_space<vmem>>
        %dma_start3A_151 = tpu.memref_squeeze %dma_start3A_150 : memref<1x50xi32, #tpu.memory_space<vmem>> -> memref<50xi32, #tpu.memory_space<vmem>>
        %dma_start3A_152 = arith.constant 0 : i32
        %dma_start3A_153 = arith.constant 0 : i32
        %dma_start3A_154 = tpu.memref_slice %arg3[%dma_start3A_152, %dma_start3A_153] : memref<100000x64xf32, #tpu.memory_space<hbm>> -> memref<100000x64xf32, #tpu.memory_space<hbm>>
        tpu.enqueue_indirect_dma source(%dma_start3A_154 : memref<100000x64xf32, #tpu.memory_space<hbm>>) target(%dma_start3A_148 : memref<50x64xf32, #tpu.memory_space<vmem>>) offsets(%dma_start3A_151 : memref<50xi32, #tpu.memory_space<vmem>>) semaphore(%arg8 : memref<!tpu.dma_semaphore, #tpu.memory_space<semaphore_mem>>)
        %mul3A_155 = arith.constant 8 : i32
        %mul3A_156 = arith.muli %add3A_128, %mul3A_155 : i32
        %add3A_157 = arith.constant 2 : i32
        %add3A_158 = arith.addi %mul3A_156, %add3A_157 : i32
        %dma_start3A_159 = arith.constant 100 : i32
        %dma_start3A_160 = arith.constant 0 : i32
        %dma_start3A_161 = tpu.memref_slice %arg6[%dma_start3A_159, %dma_start3A_160] : memref<400x64xf32, #tpu.memory_space<vmem>> -> memref<50x64xf32, #tpu.memory_space<vmem>>
        %dma_start3A_162 = arith.constant 0 : i32
        %dma_start3A_163 = tpu.memref_slice %arg5[%add3A_158, %dma_start3A_162] : memref<128x50xi32, #tpu.memory_space<vmem>> -> memref<1x50xi32, #tpu.memory_space<vmem>>
        %dma_start3A_164 = tpu.memref_squeeze %dma_start3A_163 : memref<1x50xi32, #tpu.memory_space<vmem>> -> memref<50xi32, #tpu.memory_space<vmem>>
        %dma_start3A_165 = arith.constant 0 : i32
        %dma_start3A_166 = arith.constant 0 : i32
        %dma_start3A_167 = tpu.memref_slice %arg3[%dma_start3A_165, %dma_start3A_166] : memref<100000x64xf32, #tpu.memory_space<hbm>> -> memref<100000x64xf32, #tpu.memory_space<hbm>>
        tpu.enqueue_indirect_dma source(%dma_start3A_167 : memref<100000x64xf32, #tpu.memory_space<hbm>>) target(%dma_start3A_161 : memref<50x64xf32, #tpu.memory_space<vmem>>) offsets(%dma_start3A_164 : memref<50xi32, #tpu.memory_space<vmem>>) semaphore(%arg8 : memref<!tpu.dma_semaphore, #tpu.memory_space<semaphore_mem>>)
        %mul3A_168 = arith.constant 8 : i32
        %mul3A_169 = arith.muli %add3A_128, %mul3A_168 : i32
        %add3A_170 = arith.constant 3 : i32
        %add3A_171 = arith.addi %mul3A_169, %add3A_170 : i32
        %dma_start3A_172 = arith.constant 150 : i32
        %dma_start3A_173 = arith.constant 0 : i32
        %dma_start3A_174 = tpu.memref_slice %arg6[%dma_start3A_172, %dma_start3A_173] : memref<400x64xf32, #tpu.memory_space<vmem>> -> memref<50x64xf32, #tpu.memory_space<vmem>>
        %dma_start3A_175 = arith.constant 0 : i32
        %dma_start3A_176 = tpu.memref_slice %arg5[%add3A_171, %dma_start3A_175] : memref<128x50xi32, #tpu.memory_space<vmem>> -> memref<1x50xi32, #tpu.memory_space<vmem>>
        %dma_start3A_177 = tpu.memref_squeeze %dma_start3A_176 : memref<1x50xi32, #tpu.memory_space<vmem>> -> memref<50xi32, #tpu.memory_space<vmem>>
        %dma_start3A_178 = arith.constant 0 : i32
        %dma_start3A_179 = arith.constant 0 : i32
        %dma_start3A_180 = tpu.memref_slice %arg3[%dma_start3A_178, %dma_start3A_179] : memref<100000x64xf32, #tpu.memory_space<hbm>> -> memref<100000x64xf32, #tpu.memory_space<hbm>>
        tpu.enqueue_indirect_dma source(%dma_start3A_180 : memref<100000x64xf32, #tpu.memory_space<hbm>>) target(%dma_start3A_174 : memref<50x64xf32, #tpu.memory_space<vmem>>) offsets(%dma_start3A_177 : memref<50xi32, #tpu.memory_space<vmem>>) semaphore(%arg8 : memref<!tpu.dma_semaphore, #tpu.memory_space<semaphore_mem>>)
        %mul3A_181 = arith.constant 8 : i32
        %mul3A_182 = arith.muli %add3A_128, %mul3A_181 : i32
        %add3A_183 = arith.constant 4 : i32
        %add3A_184 = arith.addi %mul3A_182, %add3A_183 : i32
        %dma_start3A_185 = arith.constant 200 : i32
        %dma_start3A_186 = arith.constant 0 : i32
        %dma_start3A_187 = tpu.memref_slice %arg6[%dma_start3A_185, %dma_start3A_186] : memref<400x64xf32, #tpu.memory_space<vmem>> -> memref<50x64xf32, #tpu.memory_space<vmem>>
        %dma_start3A_188 = arith.constant 0 : i32
        %dma_start3A_189 = tpu.memref_slice %arg5[%add3A_184, %dma_start3A_188] : memref<128x50xi32, #tpu.memory_space<vmem>> -> memref<1x50xi32, #tpu.memory_space<vmem>>
        %dma_start3A_190 = tpu.memref_squeeze %dma_start3A_189 : memref<1x50xi32, #tpu.memory_space<vmem>> -> memref<50xi32, #tpu.memory_space<vmem>>
        %dma_start3A_191 = arith.constant 0 : i32
        %dma_start3A_192 = arith.constant 0 : i32
        %dma_start3A_193 = tpu.memref_slice %arg3[%dma_start3A_191, %dma_start3A_192] : memref<100000x64xf32, #tpu.memory_space<hbm>> -> memref<100000x64xf32, #tpu.memory_space<hbm>>
        tpu.enqueue_indirect_dma source(%dma_start3A_193 : memref<100000x64xf32, #tpu.memory_space<hbm>>) target(%dma_start3A_187 : memref<50x64xf32, #tpu.memory_space<vmem>>) offsets(%dma_start3A_190 : memref<50xi32, #tpu.memory_space<vmem>>) semaphore(%arg8 : memref<!tpu.dma_semaphore, #tpu.memory_space<semaphore_mem>>)
        %mul3A_194 = arith.constant 8 : i32
        %mul3A_195 = arith.muli %add3A_128, %mul3A_194 : i32
        %add3A_196 = arith.constant 5 : i32
        %add3A_197 = arith.addi %mul3A_195, %add3A_196 : i32
        %dma_start3A_198 = arith.constant 250 : i32
        %dma_start3A_199 = arith.constant 0 : i32
        %dma_start3A_200 = tpu.memref_slice %arg6[%dma_start3A_198, %dma_start3A_199] : memref<400x64xf32, #tpu.memory_space<vmem>> -> memref<50x64xf32, #tpu.memory_space<vmem>>
        %dma_start3A_201 = arith.constant 0 : i32
        %dma_start3A_202 = tpu.memref_slice %arg5[%add3A_197, %dma_start3A_201] : memref<128x50xi32, #tpu.memory_space<vmem>> -> memref<1x50xi32, #tpu.memory_space<vmem>>
        %dma_start3A_203 = tpu.memref_squeeze %dma_start3A_202 : memref<1x50xi32, #tpu.memory_space<vmem>> -> memref<50xi32, #tpu.memory_space<vmem>>
        %dma_start3A_204 = arith.constant 0 : i32
        %dma_start3A_205 = arith.constant 0 : i32
        %dma_start3A_206 = tpu.memref_slice %arg3[%dma_start3A_204, %dma_start3A_205] : memref<100000x64xf32, #tpu.memory_space<hbm>> -> memref<100000x64xf32, #tpu.memory_space<hbm>>
        tpu.enqueue_indirect_dma source(%dma_start3A_206 : memref<100000x64xf32, #tpu.memory_space<hbm>>) target(%dma_start3A_200 : memref<50x64xf32, #tpu.memory_space<vmem>>) offsets(%dma_start3A_203 : memref<50xi32, #tpu.memory_space<vmem>>) semaphore(%arg8 : memref<!tpu.dma_semaphore, #tpu.memory_space<semaphore_mem>>)
        %mul3A_207 = arith.constant 8 : i32
        %mul3A_208 = arith.muli %add3A_128, %mul3A_207 : i32
        %add3A_209 = arith.constant 6 : i32
        %add3A_210 = arith.addi %mul3A_208, %add3A_209 : i32
        %dma_start3A_211 = arith.constant 300 : i32
        %dma_start3A_212 = arith.constant 0 : i32
        %dma_start3A_213 = tpu.memref_slice %arg6[%dma_start3A_211, %dma_start3A_212] : memref<400x64xf32, #tpu.memory_space<vmem>> -> memref<50x64xf32, #tpu.memory_space<vmem>>
        %dma_start3A_214 = arith.constant 0 : i32
        %dma_start3A_215 = tpu.memref_slice %arg5[%add3A_210, %dma_start3A_214] : memref<128x50xi32, #tpu.memory_space<vmem>> -> memref<1x50xi32, #tpu.memory_space<vmem>>
        %dma_start3A_216 = tpu.memref_squeeze %dma_start3A_215 : memref<1x50xi32, #tpu.memory_space<vmem>> -> memref<50xi32, #tpu.memory_space<vmem>>
        %dma_start3A_217 = arith.constant 0 : i32
        %dma_start3A_218 = arith.constant 0 : i32
        %dma_start3A_219 = tpu.memref_slice %arg3[%dma_start3A_217, %dma_start3A_218] : memref<100000x64xf32, #tpu.memory_space<hbm>> -> memref<100000x64xf32, #tpu.memory_space<hbm>>
        tpu.enqueue_indirect_dma source(%dma_start3A_219 : memref<100000x64xf32, #tpu.memory_space<hbm>>) target(%dma_start3A_213 : memref<50x64xf32, #tpu.memory_space<vmem>>) offsets(%dma_start3A_216 : memref<50xi32, #tpu.memory_space<vmem>>) semaphore(%arg8 : memref<!tpu.dma_semaphore, #tpu.memory_space<semaphore_mem>>)
        %mul3A_220 = arith.constant 8 : i32
        %mul3A_221 = arith.muli %add3A_128, %mul3A_220 : i32
        %add3A_222 = arith.constant 7 : i32
        %add3A_223 = arith.addi %mul3A_221, %add3A_222 : i32
        %dma_start3A_224 = arith.constant 350 : i32
        %dma_start3A_225 = arith.constant 0 : i32
        %dma_start3A_226 = tpu.memref_slice %arg6[%dma_start3A_224, %dma_start3A_225] : memref<400x64xf32, #tpu.memory_space<vmem>> -> memref<50x64xf32, #tpu.memory_space<vmem>>
        %dma_start3A_227 = arith.constant 0 : i32
        %dma_start3A_228 = tpu.memref_slice %arg5[%add3A_223, %dma_start3A_227] : memref<128x50xi32, #tpu.memory_space<vmem>> -> memref<1x50xi32, #tpu.memory_space<vmem>>
        %dma_start3A_229 = tpu.memref_squeeze %dma_start3A_228 : memref<1x50xi32, #tpu.memory_space<vmem>> -> memref<50xi32, #tpu.memory_space<vmem>>
        %dma_start3A_230 = arith.constant 0 : i32
        %dma_start3A_231 = arith.constant 0 : i32
        %dma_start3A_232 = tpu.memref_slice %arg3[%dma_start3A_230, %dma_start3A_231] : memref<100000x64xf32, #tpu.memory_space<hbm>> -> memref<100000x64xf32, #tpu.memory_space<hbm>>
        tpu.enqueue_indirect_dma source(%dma_start3A_232 : memref<100000x64xf32, #tpu.memory_space<hbm>>) target(%dma_start3A_226 : memref<50x64xf32, #tpu.memory_space<vmem>>) offsets(%dma_start3A_229 : memref<50xi32, #tpu.memory_space<vmem>>) semaphore(%arg8 : memref<!tpu.dma_semaphore, #tpu.memory_space<semaphore_mem>>)
      } else {
      }
      %mul3A_122 = arith.constant 8 : i32
      %mul3A_123 = arith.muli %add3A_108, %mul3A_122 : i32
      %add3A_124 = arith.addi %mul3A_2, %mul3A_123 : i32
      %mul3A_125 = arith.constant 50 : i32
      %mul3A_126 = arith.muli %add3A_124, %mul3A_125 : i32
      "tpu.region"() ({
        %run_scoped3A = tpu.sem_alloc : memref<!tpu.dma_semaphore, #tpu.memory_space<semaphore_mem>>
        %dma_start3A_127 = arith.constant 0 : i32
        %dma_start3A_128 = tpu.memref_slice %arg4[%mul3A_126, %dma_start3A_127] : memref<204800x64xf32, #tpu.memory_space<hbm>> -> memref<400x64xf32, #tpu.memory_space<hbm>>
        %dma_start3A_129 = arith.constant 0 : i32
        %dma_start3A_130 = tpu.memref_slice %arg4[%mul3A_126, %dma_start3A_129] : memref<204800x64xf32, #tpu.memory_space<hbm>> -> memref<400x64xf32, #tpu.memory_space<hbm>>
        tpu.enqueue_dma source(%arg7 : memref<400x64xf32, #tpu.memory_space<vmem>>) target(%dma_start3A_130 : memref<400x64xf32, #tpu.memory_space<hbm>>) target_semaphore(%run_scoped3A : memref<!tpu.dma_semaphore, #tpu.memory_space<semaphore_mem>>)
        %dma_wait3A_131 = arith.constant 0 : i32
        %dma_wait3A_132 = tpu.memref_slice %arg4[%mul3A_126, %dma_wait3A_131] : memref<204800x64xf32, #tpu.memory_space<hbm>> -> memref<400x64xf32, #tpu.memory_space<hbm>>
        %dma_wait3A_133 = arith.constant 0 : i32
        %dma_wait3A_134 = tpu.memref_slice %arg4[%mul3A_126, %dma_wait3A_133] : memref<204800x64xf32, #tpu.memory_space<hbm>> -> memref<400x64xf32, #tpu.memory_space<hbm>>
        tpu.wait_dma2 semaphore(%run_scoped3A : memref<!tpu.dma_semaphore, #tpu.memory_space<semaphore_mem>>) src(%arg7 : memref<400x64xf32, #tpu.memory_space<vmem>>) dst(%dma_wait3A_134 : memref<400x64xf32, #tpu.memory_space<hbm>>)
        tpu.yield
      }) : () -> ()
    }
    %scan3A_85 = arith.constant 8 : i32
    return
  }
}

#map = affine_map<(d0, d1) -> (0, 0)>
module attributes {stable_mosaic.version = 14 : i64} {
  func.func @body(%arg0: i32, %arg1: i32, %arg2: memref<4096x50xi32, #tpu.memory_space<hbm>>, %arg3: memref<100000x64xf32, #tpu.memory_space<hbm>>, %arg4: memref<204800x64xf32, #tpu.memory_space<hbm>>, %arg5: memref<128x50xi32, #tpu.memory_space<vmem>>, %arg6: memref<400x64xf32, #tpu.memory_space<vmem>>, %arg7: memref<400x64xf32, #tpu.memory_space<vmem>>, %arg8: memref<!tpu.dma_semaphore, #tpu.memory_space<semaphore_mem>>) attributes {dimension_semantics = [#tpu.dimension_semantics<core_parallel>, #tpu.dimension_semantics<subcore_parallel>], iteration_bounds = array<i64: 2, 16>, scalar_prefetch = 0 : i64, scratch_operands = 4 : i64, tpu.core_type = #tpu.core_type<sc_vector_subcore>, window_params = [{transform_indices = #map}, {transform_indices = #map}, {transform_indices = #map}]} {
    %mul3A = arith.constant 2 : i32
    %mul3A_0 = arith.muli %arg1, %mul3A : i32
    %add3A = arith.addi %mul3A_0, %arg0 : i32
    %mul3A_1 = arith.constant 128 : i32
    %mul3A_2 = arith.muli %add3A, %mul3A_1 : i32
    "tpu.region"() ({
      %run_scoped3A = tpu.sem_alloc : memref<!tpu.dma_semaphore, #tpu.memory_space<semaphore_mem>>
      %dma_start3A_86 = arith.constant 0 : i32
      %dma_start3A_87 = tpu.memref_slice %arg2[%mul3A_2, %dma_start3A_86] : memref<4096x50xi32, #tpu.memory_space<hbm>> -> memref<128x50xi32, #tpu.memory_space<hbm>>
      %dma_start3A_88 = arith.constant 0 : i32
      %dma_start3A_89 = tpu.memref_slice %arg2[%mul3A_2, %dma_start3A_88] : memref<4096x50xi32, #tpu.memory_space<hbm>> -> memref<128x50xi32, #tpu.memory_space<hbm>>
      tpu.enqueue_dma source(%dma_start3A_89 : memref<128x50xi32, #tpu.memory_space<hbm>>) target(%arg5 : memref<128x50xi32, #tpu.memory_space<vmem>>) target_semaphore(%run_scoped3A : memref<!tpu.dma_semaphore, #tpu.memory_space<semaphore_mem>>)
      %dma_wait3A = arith.constant 0 : i32
      %dma_wait3A_90 = tpu.memref_slice %arg2[%mul3A_2, %dma_wait3A] : memref<4096x50xi32, #tpu.memory_space<hbm>> -> memref<128x50xi32, #tpu.memory_space<hbm>>
      %dma_wait3A_91 = arith.constant 0 : i32
      %dma_wait3A_92 = tpu.memref_slice %arg2[%mul3A_2, %dma_wait3A_91] : memref<4096x50xi32, #tpu.memory_space<hbm>> -> memref<128x50xi32, #tpu.memory_space<hbm>>
      tpu.wait_dma2 semaphore(%run_scoped3A : memref<!tpu.dma_semaphore, #tpu.memory_space<semaphore_mem>>) src(%dma_wait3A_92 : memref<128x50xi32, #tpu.memory_space<hbm>>) dst(%arg5 : memref<128x50xi32, #tpu.memory_space<vmem>>)
      tpu.yield
    }) : () -> ()
    %dma_start3A = arith.constant 0 : i32
    %dma_start3A_3 = arith.constant 0 : i32
    %dma_start3A_4 = arith.constant 0 : i32
    %dma_start3A_5 = tpu.memref_slice %arg6[%dma_start3A_3, %dma_start3A_4] : memref<400x64xf32, #tpu.memory_space<vmem>> -> memref<50x64xf32, #tpu.memory_space<vmem>>
    %dma_start3A_6 = arith.constant 0 : i32
    %dma_start3A_7 = tpu.memref_slice %arg5[%dma_start3A, %dma_start3A_6] : memref<128x50xi32, #tpu.memory_space<vmem>> -> memref<1x50xi32, #tpu.memory_space<vmem>>
    %dma_start3A_8 = tpu.memref_squeeze %dma_start3A_7 : memref<1x50xi32, #tpu.memory_space<vmem>> -> memref<50xi32, #tpu.memory_space<vmem>>
    %dma_start3A_9 = arith.constant 0 : i32
    %dma_start3A_10 = arith.constant 0 : i32
    %dma_start3A_11 = tpu.memref_slice %arg3[%dma_start3A_9, %dma_start3A_10] : memref<100000x64xf32, #tpu.memory_space<hbm>> -> memref<100000x64xf32, #tpu.memory_space<hbm>>
    tpu.enqueue_indirect_dma source(%dma_start3A_11 : memref<100000x64xf32, #tpu.memory_space<hbm>>) target(%dma_start3A_5 : memref<50x64xf32, #tpu.memory_space<vmem>>) offsets(%dma_start3A_8 : memref<50xi32, #tpu.memory_space<vmem>>) semaphore(%arg8 : memref<!tpu.dma_semaphore, #tpu.memory_space<semaphore_mem>>)
    %dma_start3A_12 = arith.constant 1 : i32
    %dma_start3A_13 = arith.constant 50 : i32
    %dma_start3A_14 = arith.constant 0 : i32
    %dma_start3A_15 = tpu.memref_slice %arg6[%dma_start3A_13, %dma_start3A_14] : memref<400x64xf32, #tpu.memory_space<vmem>> -> memref<50x64xf32, #tpu.memory_space<vmem>>
    %dma_start3A_16 = arith.constant 0 : i32
    %dma_start3A_17 = tpu.memref_slice %arg5[%dma_start3A_12, %dma_start3A_16] : memref<128x50xi32, #tpu.memory_space<vmem>> -> memref<1x50xi32, #tpu.memory_space<vmem>>
    %dma_start3A_18 = tpu.memref_squeeze %dma_start3A_17 : memref<1x50xi32, #tpu.memory_space<vmem>> -> memref<50xi32, #tpu.memory_space<vmem>>
    %dma_start3A_19 = arith.constant 0 : i32
    %dma_start3A_20 = arith.constant 0 : i32
    %dma_start3A_21 = tpu.memref_slice %arg3[%dma_start3A_19, %dma_start3A_20] : memref<100000x64xf32, #tpu.memory_space<hbm>> -> memref<100000x64xf32, #tpu.memory_space<hbm>>
    tpu.enqueue_indirect_dma source(%dma_start3A_21 : memref<100000x64xf32, #tpu.memory_space<hbm>>) target(%dma_start3A_15 : memref<50x64xf32, #tpu.memory_space<vmem>>) offsets(%dma_start3A_18 : memref<50xi32, #tpu.memory_space<vmem>>) semaphore(%arg8 : memref<!tpu.dma_semaphore, #tpu.memory_space<semaphore_mem>>)
    %dma_start3A_22 = arith.constant 2 : i32
    %dma_start3A_23 = arith.constant 100 : i32
    %dma_start3A_24 = arith.constant 0 : i32
    %dma_start3A_25 = tpu.memref_slice %arg6[%dma_start3A_23, %dma_start3A_24] : memref<400x64xf32, #tpu.memory_space<vmem>> -> memref<50x64xf32, #tpu.memory_space<vmem>>
    %dma_start3A_26 = arith.constant 0 : i32
    %dma_start3A_27 = tpu.memref_slice %arg5[%dma_start3A_22, %dma_start3A_26] : memref<128x50xi32, #tpu.memory_space<vmem>> -> memref<1x50xi32, #tpu.memory_space<vmem>>
    %dma_start3A_28 = tpu.memref_squeeze %dma_start3A_27 : memref<1x50xi32, #tpu.memory_space<vmem>> -> memref<50xi32, #tpu.memory_space<vmem>>
    %dma_start3A_29 = arith.constant 0 : i32
    %dma_start3A_30 = arith.constant 0 : i32
    %dma_start3A_31 = tpu.memref_slice %arg3[%dma_start3A_29, %dma_start3A_30] : memref<100000x64xf32, #tpu.memory_space<hbm>> -> memref<100000x64xf32, #tpu.memory_space<hbm>>
    tpu.enqueue_indirect_dma source(%dma_start3A_31 : memref<100000x64xf32, #tpu.memory_space<hbm>>) target(%dma_start3A_25 : memref<50x64xf32, #tpu.memory_space<vmem>>) offsets(%dma_start3A_28 : memref<50xi32, #tpu.memory_space<vmem>>) semaphore(%arg8 : memref<!tpu.dma_semaphore, #tpu.memory_space<semaphore_mem>>)
    %dma_start3A_32 = arith.constant 3 : i32
    %dma_start3A_33 = arith.constant 150 : i32
    %dma_start3A_34 = arith.constant 0 : i32
    %dma_start3A_35 = tpu.memref_slice %arg6[%dma_start3A_33, %dma_start3A_34] : memref<400x64xf32, #tpu.memory_space<vmem>> -> memref<50x64xf32, #tpu.memory_space<vmem>>
    %dma_start3A_36 = arith.constant 0 : i32
    %dma_start3A_37 = tpu.memref_slice %arg5[%dma_start3A_32, %dma_start3A_36] : memref<128x50xi32, #tpu.memory_space<vmem>> -> memref<1x50xi32, #tpu.memory_space<vmem>>
    %dma_start3A_38 = tpu.memref_squeeze %dma_start3A_37 : memref<1x50xi32, #tpu.memory_space<vmem>> -> memref<50xi32, #tpu.memory_space<vmem>>
    %dma_start3A_39 = arith.constant 0 : i32
    %dma_start3A_40 = arith.constant 0 : i32
    %dma_start3A_41 = tpu.memref_slice %arg3[%dma_start3A_39, %dma_start3A_40] : memref<100000x64xf32, #tpu.memory_space<hbm>> -> memref<100000x64xf32, #tpu.memory_space<hbm>>
    tpu.enqueue_indirect_dma source(%dma_start3A_41 : memref<100000x64xf32, #tpu.memory_space<hbm>>) target(%dma_start3A_35 : memref<50x64xf32, #tpu.memory_space<vmem>>) offsets(%dma_start3A_38 : memref<50xi32, #tpu.memory_space<vmem>>) semaphore(%arg8 : memref<!tpu.dma_semaphore, #tpu.memory_space<semaphore_mem>>)
    %dma_start3A_42 = arith.constant 4 : i32
    %dma_start3A_43 = arith.constant 200 : i32
    %dma_start3A_44 = arith.constant 0 : i32
    %dma_start3A_45 = tpu.memref_slice %arg6[%dma_start3A_43, %dma_start3A_44] : memref<400x64xf32, #tpu.memory_space<vmem>> -> memref<50x64xf32, #tpu.memory_space<vmem>>
    %dma_start3A_46 = arith.constant 0 : i32
    %dma_start3A_47 = tpu.memref_slice %arg5[%dma_start3A_42, %dma_start3A_46] : memref<128x50xi32, #tpu.memory_space<vmem>> -> memref<1x50xi32, #tpu.memory_space<vmem>>
    %dma_start3A_48 = tpu.memref_squeeze %dma_start3A_47 : memref<1x50xi32, #tpu.memory_space<vmem>> -> memref<50xi32, #tpu.memory_space<vmem>>
    %dma_start3A_49 = arith.constant 0 : i32
    %dma_start3A_50 = arith.constant 0 : i32
    %dma_start3A_51 = tpu.memref_slice %arg3[%dma_start3A_49, %dma_start3A_50] : memref<100000x64xf32, #tpu.memory_space<hbm>> -> memref<100000x64xf32, #tpu.memory_space<hbm>>
    tpu.enqueue_indirect_dma source(%dma_start3A_51 : memref<100000x64xf32, #tpu.memory_space<hbm>>) target(%dma_start3A_45 : memref<50x64xf32, #tpu.memory_space<vmem>>) offsets(%dma_start3A_48 : memref<50xi32, #tpu.memory_space<vmem>>) semaphore(%arg8 : memref<!tpu.dma_semaphore, #tpu.memory_space<semaphore_mem>>)
    %dma_start3A_52 = arith.constant 5 : i32
    %dma_start3A_53 = arith.constant 250 : i32
    %dma_start3A_54 = arith.constant 0 : i32
    %dma_start3A_55 = tpu.memref_slice %arg6[%dma_start3A_53, %dma_start3A_54] : memref<400x64xf32, #tpu.memory_space<vmem>> -> memref<50x64xf32, #tpu.memory_space<vmem>>
    %dma_start3A_56 = arith.constant 0 : i32
    %dma_start3A_57 = tpu.memref_slice %arg5[%dma_start3A_52, %dma_start3A_56] : memref<128x50xi32, #tpu.memory_space<vmem>> -> memref<1x50xi32, #tpu.memory_space<vmem>>
    %dma_start3A_58 = tpu.memref_squeeze %dma_start3A_57 : memref<1x50xi32, #tpu.memory_space<vmem>> -> memref<50xi32, #tpu.memory_space<vmem>>
    %dma_start3A_59 = arith.constant 0 : i32
    %dma_start3A_60 = arith.constant 0 : i32
    %dma_start3A_61 = tpu.memref_slice %arg3[%dma_start3A_59, %dma_start3A_60] : memref<100000x64xf32, #tpu.memory_space<hbm>> -> memref<100000x64xf32, #tpu.memory_space<hbm>>
    tpu.enqueue_indirect_dma source(%dma_start3A_61 : memref<100000x64xf32, #tpu.memory_space<hbm>>) target(%dma_start3A_55 : memref<50x64xf32, #tpu.memory_space<vmem>>) offsets(%dma_start3A_58 : memref<50xi32, #tpu.memory_space<vmem>>) semaphore(%arg8 : memref<!tpu.dma_semaphore, #tpu.memory_space<semaphore_mem>>)
    %dma_start3A_62 = arith.constant 6 : i32
    %dma_start3A_63 = arith.constant 300 : i32
    %dma_start3A_64 = arith.constant 0 : i32
    %dma_start3A_65 = tpu.memref_slice %arg6[%dma_start3A_63, %dma_start3A_64] : memref<400x64xf32, #tpu.memory_space<vmem>> -> memref<50x64xf32, #tpu.memory_space<vmem>>
    %dma_start3A_66 = arith.constant 0 : i32
    %dma_start3A_67 = tpu.memref_slice %arg5[%dma_start3A_62, %dma_start3A_66] : memref<128x50xi32, #tpu.memory_space<vmem>> -> memref<1x50xi32, #tpu.memory_space<vmem>>
    %dma_start3A_68 = tpu.memref_squeeze %dma_start3A_67 : memref<1x50xi32, #tpu.memory_space<vmem>> -> memref<50xi32, #tpu.memory_space<vmem>>
    %dma_start3A_69 = arith.constant 0 : i32
    %dma_start3A_70 = arith.constant 0 : i32
    %dma_start3A_71 = tpu.memref_slice %arg3[%dma_start3A_69, %dma_start3A_70] : memref<100000x64xf32, #tpu.memory_space<hbm>> -> memref<100000x64xf32, #tpu.memory_space<hbm>>
    tpu.enqueue_indirect_dma source(%dma_start3A_71 : memref<100000x64xf32, #tpu.memory_space<hbm>>) target(%dma_start3A_65 : memref<50x64xf32, #tpu.memory_space<vmem>>) offsets(%dma_start3A_68 : memref<50xi32, #tpu.memory_space<vmem>>) semaphore(%arg8 : memref<!tpu.dma_semaphore, #tpu.memory_space<semaphore_mem>>)
    %dma_start3A_72 = arith.constant 7 : i32
    %dma_start3A_73 = arith.constant 350 : i32
    %dma_start3A_74 = arith.constant 0 : i32
    %dma_start3A_75 = tpu.memref_slice %arg6[%dma_start3A_73, %dma_start3A_74] : memref<400x64xf32, #tpu.memory_space<vmem>> -> memref<50x64xf32, #tpu.memory_space<vmem>>
    %dma_start3A_76 = arith.constant 0 : i32
    %dma_start3A_77 = tpu.memref_slice %arg5[%dma_start3A_72, %dma_start3A_76] : memref<128x50xi32, #tpu.memory_space<vmem>> -> memref<1x50xi32, #tpu.memory_space<vmem>>
    %dma_start3A_78 = tpu.memref_squeeze %dma_start3A_77 : memref<1x50xi32, #tpu.memory_space<vmem>> -> memref<50xi32, #tpu.memory_space<vmem>>
    %dma_start3A_79 = arith.constant 0 : i32
    %dma_start3A_80 = arith.constant 0 : i32
    %dma_start3A_81 = tpu.memref_slice %arg3[%dma_start3A_79, %dma_start3A_80] : memref<100000x64xf32, #tpu.memory_space<hbm>> -> memref<100000x64xf32, #tpu.memory_space<hbm>>
    tpu.enqueue_indirect_dma source(%dma_start3A_81 : memref<100000x64xf32, #tpu.memory_space<hbm>>) target(%dma_start3A_75 : memref<50x64xf32, #tpu.memory_space<vmem>>) offsets(%dma_start3A_78 : memref<50xi32, #tpu.memory_space<vmem>>) semaphore(%arg8 : memref<!tpu.dma_semaphore, #tpu.memory_space<semaphore_mem>>)
    %scan3A = arith.constant 0 : i32
    %scan3A_82 = arith.constant 8 : i32
    %scan3A_83 = arith.addi %scan3A, %scan3A_82 : i32
    %scan3A_84 = arith.constant 1 : i32
    scf.for %scan3A_86 = %scan3A to %scan3A_83 step %scan3A_84  : i32 {
      %mul3A_87 = arith.constant 2 : i32
      %mul3A_88 = arith.muli %scan3A_86, %mul3A_87 : i32
      %add3A_89 = arith.constant 0 : i32
      %add3A_90 = arith.addi %add3A_89, %mul3A_88 : i32
      %add3A_91 = arith.constant 0 : i32
      %add3A_92 = arith.addi %add3A_90, %add3A_91 : i32
      %dma_wait3A = arith.constant 0 : i32
      %dma_wait3A_93 = arith.constant 0 : i32
      %dma_wait3A_94 = tpu.memref_slice %arg3[%dma_wait3A, %dma_wait3A_93] : memref<100000x64xf32, #tpu.memory_space<hbm>> -> memref<400x64xf32, #tpu.memory_space<hbm>>
      %dma_wait3A_95 = arith.constant 0 : i32
      %dma_wait3A_96 = arith.constant 0 : i32
      %dma_wait3A_97 = tpu.memref_slice %arg3[%dma_wait3A_95, %dma_wait3A_96] : memref<100000x64xf32, #tpu.memory_space<hbm>> -> memref<400x64xf32, #tpu.memory_space<hbm>>
      tpu.wait_dma2 semaphore(%arg8 : memref<!tpu.dma_semaphore, #tpu.memory_space<semaphore_mem>>) src(%dma_wait3A_97 : memref<400x64xf32, #tpu.memory_space<hbm>>) dst(%arg6 : memref<400x64xf32, #tpu.memory_space<vmem>>)
      %add3A_98 = arith.constant 1 : i32
      %add3A_99 = arith.addi %add3A_92, %add3A_98 : i32
      %lt3A = arith.constant 16 : i32
      %lt3A_100 = arith.cmpi slt, %add3A_99, %lt3A : i32
      %convert_element_type3A = arith.extui %lt3A_100 : i1 to i32
      %cond3A = arith.constant 0 : i32
      %cond3A_101 = arith.cmpi ne, %convert_element_type3A, %cond3A : i32
      scf.if %cond3A_101 {
        %add3A_127 = arith.constant 1 : i32
        %add3A_128 = arith.addi %add3A_92, %add3A_127 : i32
        %mul3A_129 = arith.constant 8 : i32
        %mul3A_130 = arith.muli %add3A_128, %mul3A_129 : i32
        %add3A_131 = arith.constant 0 : i32
        %add3A_132 = arith.addi %mul3A_130, %add3A_131 : i32
        %dma_start3A_133 = arith.constant 0 : i32
        %dma_start3A_134 = arith.constant 0 : i32
        %dma_start3A_135 = tpu.memref_slice %arg7[%dma_start3A_133, %dma_start3A_134] : memref<400x64xf32, #tpu.memory_space<vmem>> -> memref<50x64xf32, #tpu.memory_space<vmem>>
        %dma_start3A_136 = arith.constant 0 : i32
        %dma_start3A_137 = tpu.memref_slice %arg5[%add3A_132, %dma_start3A_136] : memref<128x50xi32, #tpu.memory_space<vmem>> -> memref<1x50xi32, #tpu.memory_space<vmem>>
        %dma_start3A_138 = tpu.memref_squeeze %dma_start3A_137 : memref<1x50xi32, #tpu.memory_space<vmem>> -> memref<50xi32, #tpu.memory_space<vmem>>
        %dma_start3A_139 = arith.constant 0 : i32
        %dma_start3A_140 = arith.constant 0 : i32
        %dma_start3A_141 = tpu.memref_slice %arg3[%dma_start3A_139, %dma_start3A_140] : memref<100000x64xf32, #tpu.memory_space<hbm>> -> memref<100000x64xf32, #tpu.memory_space<hbm>>
        tpu.enqueue_indirect_dma source(%dma_start3A_141 : memref<100000x64xf32, #tpu.memory_space<hbm>>) target(%dma_start3A_135 : memref<50x64xf32, #tpu.memory_space<vmem>>) offsets(%dma_start3A_138 : memref<50xi32, #tpu.memory_space<vmem>>) semaphore(%arg8 : memref<!tpu.dma_semaphore, #tpu.memory_space<semaphore_mem>>)
        %mul3A_142 = arith.constant 8 : i32
        %mul3A_143 = arith.muli %add3A_128, %mul3A_142 : i32
        %add3A_144 = arith.constant 1 : i32
        %add3A_145 = arith.addi %mul3A_143, %add3A_144 : i32
        %dma_start3A_146 = arith.constant 50 : i32
        %dma_start3A_147 = arith.constant 0 : i32
        %dma_start3A_148 = tpu.memref_slice %arg7[%dma_start3A_146, %dma_start3A_147] : memref<400x64xf32, #tpu.memory_space<vmem>> -> memref<50x64xf32, #tpu.memory_space<vmem>>
        %dma_start3A_149 = arith.constant 0 : i32
        %dma_start3A_150 = tpu.memref_slice %arg5[%add3A_145, %dma_start3A_149] : memref<128x50xi32, #tpu.memory_space<vmem>> -> memref<1x50xi32, #tpu.memory_space<vmem>>
        %dma_start3A_151 = tpu.memref_squeeze %dma_start3A_150 : memref<1x50xi32, #tpu.memory_space<vmem>> -> memref<50xi32, #tpu.memory_space<vmem>>
        %dma_start3A_152 = arith.constant 0 : i32
        %dma_start3A_153 = arith.constant 0 : i32
        %dma_start3A_154 = tpu.memref_slice %arg3[%dma_start3A_152, %dma_start3A_153] : memref<100000x64xf32, #tpu.memory_space<hbm>> -> memref<100000x64xf32, #tpu.memory_space<hbm>>
        tpu.enqueue_indirect_dma source(%dma_start3A_154 : memref<100000x64xf32, #tpu.memory_space<hbm>>) target(%dma_start3A_148 : memref<50x64xf32, #tpu.memory_space<vmem>>) offsets(%dma_start3A_151 : memref<50xi32, #tpu.memory_space<vmem>>) semaphore(%arg8 : memref<!tpu.dma_semaphore, #tpu.memory_space<semaphore_mem>>)
        %mul3A_155 = arith.constant 8 : i32
        %mul3A_156 = arith.muli %add3A_128, %mul3A_155 : i32
        %add3A_157 = arith.constant 2 : i32
        %add3A_158 = arith.addi %mul3A_156, %add3A_157 : i32
        %dma_start3A_159 = arith.constant 100 : i32
        %dma_start3A_160 = arith.constant 0 : i32
        %dma_start3A_161 = tpu.memref_slice %arg7[%dma_start3A_159, %dma_start3A_160] : memref<400x64xf32, #tpu.memory_space<vmem>> -> memref<50x64xf32, #tpu.memory_space<vmem>>
        %dma_start3A_162 = arith.constant 0 : i32
        %dma_start3A_163 = tpu.memref_slice %arg5[%add3A_158, %dma_start3A_162] : memref<128x50xi32, #tpu.memory_space<vmem>> -> memref<1x50xi32, #tpu.memory_space<vmem>>
        %dma_start3A_164 = tpu.memref_squeeze %dma_start3A_163 : memref<1x50xi32, #tpu.memory_space<vmem>> -> memref<50xi32, #tpu.memory_space<vmem>>
        %dma_start3A_165 = arith.constant 0 : i32
        %dma_start3A_166 = arith.constant 0 : i32
        %dma_start3A_167 = tpu.memref_slice %arg3[%dma_start3A_165, %dma_start3A_166] : memref<100000x64xf32, #tpu.memory_space<hbm>> -> memref<100000x64xf32, #tpu.memory_space<hbm>>
        tpu.enqueue_indirect_dma source(%dma_start3A_167 : memref<100000x64xf32, #tpu.memory_space<hbm>>) target(%dma_start3A_161 : memref<50x64xf32, #tpu.memory_space<vmem>>) offsets(%dma_start3A_164 : memref<50xi32, #tpu.memory_space<vmem>>) semaphore(%arg8 : memref<!tpu.dma_semaphore, #tpu.memory_space<semaphore_mem>>)
        %mul3A_168 = arith.constant 8 : i32
        %mul3A_169 = arith.muli %add3A_128, %mul3A_168 : i32
        %add3A_170 = arith.constant 3 : i32
        %add3A_171 = arith.addi %mul3A_169, %add3A_170 : i32
        %dma_start3A_172 = arith.constant 150 : i32
        %dma_start3A_173 = arith.constant 0 : i32
        %dma_start3A_174 = tpu.memref_slice %arg7[%dma_start3A_172, %dma_start3A_173] : memref<400x64xf32, #tpu.memory_space<vmem>> -> memref<50x64xf32, #tpu.memory_space<vmem>>
        %dma_start3A_175 = arith.constant 0 : i32
        %dma_start3A_176 = tpu.memref_slice %arg5[%add3A_171, %dma_start3A_175] : memref<128x50xi32, #tpu.memory_space<vmem>> -> memref<1x50xi32, #tpu.memory_space<vmem>>
        %dma_start3A_177 = tpu.memref_squeeze %dma_start3A_176 : memref<1x50xi32, #tpu.memory_space<vmem>> -> memref<50xi32, #tpu.memory_space<vmem>>
        %dma_start3A_178 = arith.constant 0 : i32
        %dma_start3A_179 = arith.constant 0 : i32
        %dma_start3A_180 = tpu.memref_slice %arg3[%dma_start3A_178, %dma_start3A_179] : memref<100000x64xf32, #tpu.memory_space<hbm>> -> memref<100000x64xf32, #tpu.memory_space<hbm>>
        tpu.enqueue_indirect_dma source(%dma_start3A_180 : memref<100000x64xf32, #tpu.memory_space<hbm>>) target(%dma_start3A_174 : memref<50x64xf32, #tpu.memory_space<vmem>>) offsets(%dma_start3A_177 : memref<50xi32, #tpu.memory_space<vmem>>) semaphore(%arg8 : memref<!tpu.dma_semaphore, #tpu.memory_space<semaphore_mem>>)
        %mul3A_181 = arith.constant 8 : i32
        %mul3A_182 = arith.muli %add3A_128, %mul3A_181 : i32
        %add3A_183 = arith.constant 4 : i32
        %add3A_184 = arith.addi %mul3A_182, %add3A_183 : i32
        %dma_start3A_185 = arith.constant 200 : i32
        %dma_start3A_186 = arith.constant 0 : i32
        %dma_start3A_187 = tpu.memref_slice %arg7[%dma_start3A_185, %dma_start3A_186] : memref<400x64xf32, #tpu.memory_space<vmem>> -> memref<50x64xf32, #tpu.memory_space<vmem>>
        %dma_start3A_188 = arith.constant 0 : i32
        %dma_start3A_189 = tpu.memref_slice %arg5[%add3A_184, %dma_start3A_188] : memref<128x50xi32, #tpu.memory_space<vmem>> -> memref<1x50xi32, #tpu.memory_space<vmem>>
        %dma_start3A_190 = tpu.memref_squeeze %dma_start3A_189 : memref<1x50xi32, #tpu.memory_space<vmem>> -> memref<50xi32, #tpu.memory_space<vmem>>
        %dma_start3A_191 = arith.constant 0 : i32
        %dma_start3A_192 = arith.constant 0 : i32
        %dma_start3A_193 = tpu.memref_slice %arg3[%dma_start3A_191, %dma_start3A_192] : memref<100000x64xf32, #tpu.memory_space<hbm>> -> memref<100000x64xf32, #tpu.memory_space<hbm>>
        tpu.enqueue_indirect_dma source(%dma_start3A_193 : memref<100000x64xf32, #tpu.memory_space<hbm>>) target(%dma_start3A_187 : memref<50x64xf32, #tpu.memory_space<vmem>>) offsets(%dma_start3A_190 : memref<50xi32, #tpu.memory_space<vmem>>) semaphore(%arg8 : memref<!tpu.dma_semaphore, #tpu.memory_space<semaphore_mem>>)
        %mul3A_194 = arith.constant 8 : i32
        %mul3A_195 = arith.muli %add3A_128, %mul3A_194 : i32
        %add3A_196 = arith.constant 5 : i32
        %add3A_197 = arith.addi %mul3A_195, %add3A_196 : i32
        %dma_start3A_198 = arith.constant 250 : i32
        %dma_start3A_199 = arith.constant 0 : i32
        %dma_start3A_200 = tpu.memref_slice %arg7[%dma_start3A_198, %dma_start3A_199] : memref<400x64xf32, #tpu.memory_space<vmem>> -> memref<50x64xf32, #tpu.memory_space<vmem>>
        %dma_start3A_201 = arith.constant 0 : i32
        %dma_start3A_202 = tpu.memref_slice %arg5[%add3A_197, %dma_start3A_201] : memref<128x50xi32, #tpu.memory_space<vmem>> -> memref<1x50xi32, #tpu.memory_space<vmem>>
        %dma_start3A_203 = tpu.memref_squeeze %dma_start3A_202 : memref<1x50xi32, #tpu.memory_space<vmem>> -> memref<50xi32, #tpu.memory_space<vmem>>
        %dma_start3A_204 = arith.constant 0 : i32
        %dma_start3A_205 = arith.constant 0 : i32
        %dma_start3A_206 = tpu.memref_slice %arg3[%dma_start3A_204, %dma_start3A_205] : memref<100000x64xf32, #tpu.memory_space<hbm>> -> memref<100000x64xf32, #tpu.memory_space<hbm>>
        tpu.enqueue_indirect_dma source(%dma_start3A_206 : memref<100000x64xf32, #tpu.memory_space<hbm>>) target(%dma_start3A_200 : memref<50x64xf32, #tpu.memory_space<vmem>>) offsets(%dma_start3A_203 : memref<50xi32, #tpu.memory_space<vmem>>) semaphore(%arg8 : memref<!tpu.dma_semaphore, #tpu.memory_space<semaphore_mem>>)
        %mul3A_207 = arith.constant 8 : i32
        %mul3A_208 = arith.muli %add3A_128, %mul3A_207 : i32
        %add3A_209 = arith.constant 6 : i32
        %add3A_210 = arith.addi %mul3A_208, %add3A_209 : i32
        %dma_start3A_211 = arith.constant 300 : i32
        %dma_start3A_212 = arith.constant 0 : i32
        %dma_start3A_213 = tpu.memref_slice %arg7[%dma_start3A_211, %dma_start3A_212] : memref<400x64xf32, #tpu.memory_space<vmem>> -> memref<50x64xf32, #tpu.memory_space<vmem>>
        %dma_start3A_214 = arith.constant 0 : i32
        %dma_start3A_215 = tpu.memref_slice %arg5[%add3A_210, %dma_start3A_214] : memref<128x50xi32, #tpu.memory_space<vmem>> -> memref<1x50xi32, #tpu.memory_space<vmem>>
        %dma_start3A_216 = tpu.memref_squeeze %dma_start3A_215 : memref<1x50xi32, #tpu.memory_space<vmem>> -> memref<50xi32, #tpu.memory_space<vmem>>
        %dma_start3A_217 = arith.constant 0 : i32
        %dma_start3A_218 = arith.constant 0 : i32
        %dma_start3A_219 = tpu.memref_slice %arg3[%dma_start3A_217, %dma_start3A_218] : memref<100000x64xf32, #tpu.memory_space<hbm>> -> memref<100000x64xf32, #tpu.memory_space<hbm>>
        tpu.enqueue_indirect_dma source(%dma_start3A_219 : memref<100000x64xf32, #tpu.memory_space<hbm>>) target(%dma_start3A_213 : memref<50x64xf32, #tpu.memory_space<vmem>>) offsets(%dma_start3A_216 : memref<50xi32, #tpu.memory_space<vmem>>) semaphore(%arg8 : memref<!tpu.dma_semaphore, #tpu.memory_space<semaphore_mem>>)
        %mul3A_220 = arith.constant 8 : i32
        %mul3A_221 = arith.muli %add3A_128, %mul3A_220 : i32
        %add3A_222 = arith.constant 7 : i32
        %add3A_223 = arith.addi %mul3A_221, %add3A_222 : i32
        %dma_start3A_224 = arith.constant 350 : i32
        %dma_start3A_225 = arith.constant 0 : i32
        %dma_start3A_226 = tpu.memref_slice %arg7[%dma_start3A_224, %dma_start3A_225] : memref<400x64xf32, #tpu.memory_space<vmem>> -> memref<50x64xf32, #tpu.memory_space<vmem>>
        %dma_start3A_227 = arith.constant 0 : i32
        %dma_start3A_228 = tpu.memref_slice %arg5[%add3A_223, %dma_start3A_227] : memref<128x50xi32, #tpu.memory_space<vmem>> -> memref<1x50xi32, #tpu.memory_space<vmem>>
        %dma_start3A_229 = tpu.memref_squeeze %dma_start3A_228 : memref<1x50xi32, #tpu.memory_space<vmem>> -> memref<50xi32, #tpu.memory_space<vmem>>
        %dma_start3A_230 = arith.constant 0 : i32
        %dma_start3A_231 = arith.constant 0 : i32
        %dma_start3A_232 = tpu.memref_slice %arg3[%dma_start3A_230, %dma_start3A_231] : memref<100000x64xf32, #tpu.memory_space<hbm>> -> memref<100000x64xf32, #tpu.memory_space<hbm>>
        tpu.enqueue_indirect_dma source(%dma_start3A_232 : memref<100000x64xf32, #tpu.memory_space<hbm>>) target(%dma_start3A_226 : memref<50x64xf32, #tpu.memory_space<vmem>>) offsets(%dma_start3A_229 : memref<50xi32, #tpu.memory_space<vmem>>) semaphore(%arg8 : memref<!tpu.dma_semaphore, #tpu.memory_space<semaphore_mem>>)
      } else {
      }
      %mul3A_102 = arith.constant 8 : i32
      %mul3A_103 = arith.muli %add3A_92, %mul3A_102 : i32
      %add3A_104 = arith.addi %mul3A_2, %mul3A_103 : i32
      %mul3A_105 = arith.constant 50 : i32
      %mul3A_106 = arith.muli %add3A_104, %mul3A_105 : i32
      "tpu.region"() ({
        %run_scoped3A = tpu.sem_alloc : memref<!tpu.dma_semaphore, #tpu.memory_space<semaphore_mem>>
        %dma_start3A_127 = arith.constant 0 : i32
        %dma_start3A_128 = tpu.memref_slice %arg4[%mul3A_106, %dma_start3A_127] : memref<204800x64xf32, #tpu.memory_space<hbm>> -> memref<400x64xf32, #tpu.memory_space<hbm>>
        %dma_start3A_129 = arith.constant 0 : i32
        %dma_start3A_130 = tpu.memref_slice %arg4[%mul3A_106, %dma_start3A_129] : memref<204800x64xf32, #tpu.memory_space<hbm>> -> memref<400x64xf32, #tpu.memory_space<hbm>>
        tpu.enqueue_dma source(%arg6 : memref<400x64xf32, #tpu.memory_space<vmem>>) target(%dma_start3A_130 : memref<400x64xf32, #tpu.memory_space<hbm>>) target_semaphore(%run_scoped3A : memref<!tpu.dma_semaphore, #tpu.memory_space<semaphore_mem>>)
        %dma_wait3A_131 = arith.constant 0 : i32
        %dma_wait3A_132 = tpu.memref_slice %arg4[%mul3A_106, %dma_wait3A_131] : memref<204800x64xf32, #tpu.memory_space<hbm>> -> memref<400x64xf32, #tpu.memory_space<hbm>>
        %dma_wait3A_133 = arith.constant 0 : i32
        %dma_wait3A_134 = tpu.memref_slice %arg4[%mul3A_106, %dma_wait3A_133] : memref<204800x64xf32, #tpu.memory_space<hbm>> -> memref<400x64xf32, #tpu.memory_space<hbm>>
        tpu.wait_dma2 semaphore(%run_scoped3A : memref<!tpu.dma_semaphore, #tpu.memory_space<semaphore_mem>>) src(%arg6 : memref<400x64xf32, #tpu.memory_space<vmem>>) dst(%dma_wait3A_134 : memref<400x64xf32, #tpu.memory_space<hbm>>)
        tpu.yield
      }) : () -> ()
      %add3A_107 = arith.constant 1 : i32
      %add3A_108 = arith.addi %add3A_90, %add3A_107 : i32
      %dma_wait3A_109 = arith.constant 0 : i32
      %dma_wait3A_110 = arith.constant 0 : i32
      %dma_wait3A_111 = tpu.memref_slice %arg3[%dma_wait3A_109, %dma_wait3A_110] : memref<100000x64xf32, #tpu.memory_space<hbm>> -> memref<400x64xf32, #tpu.memory_space<hbm>>
      %dma_wait3A_112 = arith.constant 0 : i32
      %dma_wait3A_113 = arith.constant 0 : i32
      %dma_wait3A_114 = tpu.memref_slice %arg3[%dma_wait3A_112, %dma_wait3A_113] : memref<100000x64xf32, #tpu.memory_space<hbm>> -> memref<400x64xf32, #tpu.memory_space<hbm>>
      tpu.wait_dma2 semaphore(%arg8 : memref<!tpu.dma_semaphore, #tpu.memory_space<semaphore_mem>>) src(%dma_wait3A_114 : memref<400x64xf32, #tpu.memory_space<hbm>>) dst(%arg7 : memref<400x64xf32, #tpu.memory_space<vmem>>)
      %add3A_115 = arith.constant 1 : i32
      %add3A_116 = arith.addi %add3A_108, %add3A_115 : i32
      %lt3A_117 = arith.constant 16 : i32
      %lt3A_118 = arith.cmpi slt, %add3A_116, %lt3A_117 : i32
      %convert_element_type3A_119 = arith.extui %lt3A_118 : i1 to i32
      %cond3A_120 = arith.constant 0 : i32
      %cond3A_121 = arith.cmpi ne, %convert_element_type3A_119, %cond3A_120 : i32
      scf.if %cond3A_121 {
        %add3A_127 = arith.constant 1 : i32
        %add3A_128 = arith.addi %add3A_108, %add3A_127 : i32
        %mul3A_129 = arith.constant 8 : i32
        %mul3A_130 = arith.muli %add3A_128, %mul3A_129 : i32
        %add3A_131 = arith.constant 0 : i32
        %add3A_132 = arith.addi %mul3A_130, %add3A_131 : i32
        %dma_start3A_133 = arith.constant 0 : i32
        %dma_start3A_134 = arith.constant 0 : i32
        %dma_start3A_135 = tpu.memref_slice %arg6[%dma_start3A_133, %dma_start3A_134] : memref<400x64xf32, #tpu.memory_space<vmem>> -> memref<50x64xf32, #tpu.memory_space<vmem>>
        %dma_start3A_136 = arith.constant 0 : i32
        %dma_start3A_137 = tpu.memref_slice %arg5[%add3A_132, %dma_start3A_136] : memref<128x50xi32, #tpu.memory_space<vmem>> -> memref<1x50xi32, #tpu.memory_space<vmem>>
        %dma_start3A_138 = tpu.memref_squeeze %dma_start3A_137 : memref<1x50xi32, #tpu.memory_space<vmem>> -> memref<50xi32, #tpu.memory_space<vmem>>
        %dma_start3A_139 = arith.constant 0 : i32
        %dma_start3A_140 = arith.constant 0 : i32
        %dma_start3A_141 = tpu.memref_slice %arg3[%dma_start3A_139, %dma_start3A_140] : memref<100000x64xf32, #tpu.memory_space<hbm>> -> memref<100000x64xf32, #tpu.memory_space<hbm>>
        tpu.enqueue_indirect_dma source(%dma_start3A_141 : memref<100000x64xf32, #tpu.memory_space<hbm>>) target(%dma_start3A_135 : memref<50x64xf32, #tpu.memory_space<vmem>>) offsets(%dma_start3A_138 : memref<50xi32, #tpu.memory_space<vmem>>) semaphore(%arg8 : memref<!tpu.dma_semaphore, #tpu.memory_space<semaphore_mem>>)
        %mul3A_142 = arith.constant 8 : i32
        %mul3A_143 = arith.muli %add3A_128, %mul3A_142 : i32
        %add3A_144 = arith.constant 1 : i32
        %add3A_145 = arith.addi %mul3A_143, %add3A_144 : i32
        %dma_start3A_146 = arith.constant 50 : i32
        %dma_start3A_147 = arith.constant 0 : i32
        %dma_start3A_148 = tpu.memref_slice %arg6[%dma_start3A_146, %dma_start3A_147] : memref<400x64xf32, #tpu.memory_space<vmem>> -> memref<50x64xf32, #tpu.memory_space<vmem>>
        %dma_start3A_149 = arith.constant 0 : i32
        %dma_start3A_150 = tpu.memref_slice %arg5[%add3A_145, %dma_start3A_149] : memref<128x50xi32, #tpu.memory_space<vmem>> -> memref<1x50xi32, #tpu.memory_space<vmem>>
        %dma_start3A_151 = tpu.memref_squeeze %dma_start3A_150 : memref<1x50xi32, #tpu.memory_space<vmem>> -> memref<50xi32, #tpu.memory_space<vmem>>
        %dma_start3A_152 = arith.constant 0 : i32
        %dma_start3A_153 = arith.constant 0 : i32
        %dma_start3A_154 = tpu.memref_slice %arg3[%dma_start3A_152, %dma_start3A_153] : memref<100000x64xf32, #tpu.memory_space<hbm>> -> memref<100000x64xf32, #tpu.memory_space<hbm>>
        tpu.enqueue_indirect_dma source(%dma_start3A_154 : memref<100000x64xf32, #tpu.memory_space<hbm>>) target(%dma_start3A_148 : memref<50x64xf32, #tpu.memory_space<vmem>>) offsets(%dma_start3A_151 : memref<50xi32, #tpu.memory_space<vmem>>) semaphore(%arg8 : memref<!tpu.dma_semaphore, #tpu.memory_space<semaphore_mem>>)
        %mul3A_155 = arith.constant 8 : i32
        %mul3A_156 = arith.muli %add3A_128, %mul3A_155 : i32
        %add3A_157 = arith.constant 2 : i32
        %add3A_158 = arith.addi %mul3A_156, %add3A_157 : i32
        %dma_start3A_159 = arith.constant 100 : i32
        %dma_start3A_160 = arith.constant 0 : i32
        %dma_start3A_161 = tpu.memref_slice %arg6[%dma_start3A_159, %dma_start3A_160] : memref<400x64xf32, #tpu.memory_space<vmem>> -> memref<50x64xf32, #tpu.memory_space<vmem>>
        %dma_start3A_162 = arith.constant 0 : i32
        %dma_start3A_163 = tpu.memref_slice %arg5[%add3A_158, %dma_start3A_162] : memref<128x50xi32, #tpu.memory_space<vmem>> -> memref<1x50xi32, #tpu.memory_space<vmem>>
        %dma_start3A_164 = tpu.memref_squeeze %dma_start3A_163 : memref<1x50xi32, #tpu.memory_space<vmem>> -> memref<50xi32, #tpu.memory_space<vmem>>
        %dma_start3A_165 = arith.constant 0 : i32
        %dma_start3A_166 = arith.constant 0 : i32
        %dma_start3A_167 = tpu.memref_slice %arg3[%dma_start3A_165, %dma_start3A_166] : memref<100000x64xf32, #tpu.memory_space<hbm>> -> memref<100000x64xf32, #tpu.memory_space<hbm>>
        tpu.enqueue_indirect_dma source(%dma_start3A_167 : memref<100000x64xf32, #tpu.memory_space<hbm>>) target(%dma_start3A_161 : memref<50x64xf32, #tpu.memory_space<vmem>>) offsets(%dma_start3A_164 : memref<50xi32, #tpu.memory_space<vmem>>) semaphore(%arg8 : memref<!tpu.dma_semaphore, #tpu.memory_space<semaphore_mem>>)
        %mul3A_168 = arith.constant 8 : i32
        %mul3A_169 = arith.muli %add3A_128, %mul3A_168 : i32
        %add3A_170 = arith.constant 3 : i32
        %add3A_171 = arith.addi %mul3A_169, %add3A_170 : i32
        %dma_start3A_172 = arith.constant 150 : i32
        %dma_start3A_173 = arith.constant 0 : i32
        %dma_start3A_174 = tpu.memref_slice %arg6[%dma_start3A_172, %dma_start3A_173] : memref<400x64xf32, #tpu.memory_space<vmem>> -> memref<50x64xf32, #tpu.memory_space<vmem>>
        %dma_start3A_175 = arith.constant 0 : i32
        %dma_start3A_176 = tpu.memref_slice %arg5[%add3A_171, %dma_start3A_175] : memref<128x50xi32, #tpu.memory_space<vmem>> -> memref<1x50xi32, #tpu.memory_space<vmem>>
        %dma_start3A_177 = tpu.memref_squeeze %dma_start3A_176 : memref<1x50xi32, #tpu.memory_space<vmem>> -> memref<50xi32, #tpu.memory_space<vmem>>
        %dma_start3A_178 = arith.constant 0 : i32
        %dma_start3A_179 = arith.constant 0 : i32
        %dma_start3A_180 = tpu.memref_slice %arg3[%dma_start3A_178, %dma_start3A_179] : memref<100000x64xf32, #tpu.memory_space<hbm>> -> memref<100000x64xf32, #tpu.memory_space<hbm>>
        tpu.enqueue_indirect_dma source(%dma_start3A_180 : memref<100000x64xf32, #tpu.memory_space<hbm>>) target(%dma_start3A_174 : memref<50x64xf32, #tpu.memory_space<vmem>>) offsets(%dma_start3A_177 : memref<50xi32, #tpu.memory_space<vmem>>) semaphore(%arg8 : memref<!tpu.dma_semaphore, #tpu.memory_space<semaphore_mem>>)
        %mul3A_181 = arith.constant 8 : i32
        %mul3A_182 = arith.muli %add3A_128, %mul3A_181 : i32
        %add3A_183 = arith.constant 4 : i32
        %add3A_184 = arith.addi %mul3A_182, %add3A_183 : i32
        %dma_start3A_185 = arith.constant 200 : i32
        %dma_start3A_186 = arith.constant 0 : i32
        %dma_start3A_187 = tpu.memref_slice %arg6[%dma_start3A_185, %dma_start3A_186] : memref<400x64xf32, #tpu.memory_space<vmem>> -> memref<50x64xf32, #tpu.memory_space<vmem>>
        %dma_start3A_188 = arith.constant 0 : i32
        %dma_start3A_189 = tpu.memref_slice %arg5[%add3A_184, %dma_start3A_188] : memref<128x50xi32, #tpu.memory_space<vmem>> -> memref<1x50xi32, #tpu.memory_space<vmem>>
        %dma_start3A_190 = tpu.memref_squeeze %dma_start3A_189 : memref<1x50xi32, #tpu.memory_space<vmem>> -> memref<50xi32, #tpu.memory_space<vmem>>
        %dma_start3A_191 = arith.constant 0 : i32
        %dma_start3A_192 = arith.constant 0 : i32
        %dma_start3A_193 = tpu.memref_slice %arg3[%dma_start3A_191, %dma_start3A_192] : memref<100000x64xf32, #tpu.memory_space<hbm>> -> memref<100000x64xf32, #tpu.memory_space<hbm>>
        tpu.enqueue_indirect_dma source(%dma_start3A_193 : memref<100000x64xf32, #tpu.memory_space<hbm>>) target(%dma_start3A_187 : memref<50x64xf32, #tpu.memory_space<vmem>>) offsets(%dma_start3A_190 : memref<50xi32, #tpu.memory_space<vmem>>) semaphore(%arg8 : memref<!tpu.dma_semaphore, #tpu.memory_space<semaphore_mem>>)
        %mul3A_194 = arith.constant 8 : i32
        %mul3A_195 = arith.muli %add3A_128, %mul3A_194 : i32
        %add3A_196 = arith.constant 5 : i32
        %add3A_197 = arith.addi %mul3A_195, %add3A_196 : i32
        %dma_start3A_198 = arith.constant 250 : i32
        %dma_start3A_199 = arith.constant 0 : i32
        %dma_start3A_200 = tpu.memref_slice %arg6[%dma_start3A_198, %dma_start3A_199] : memref<400x64xf32, #tpu.memory_space<vmem>> -> memref<50x64xf32, #tpu.memory_space<vmem>>
        %dma_start3A_201 = arith.constant 0 : i32
        %dma_start3A_202 = tpu.memref_slice %arg5[%add3A_197, %dma_start3A_201] : memref<128x50xi32, #tpu.memory_space<vmem>> -> memref<1x50xi32, #tpu.memory_space<vmem>>
        %dma_start3A_203 = tpu.memref_squeeze %dma_start3A_202 : memref<1x50xi32, #tpu.memory_space<vmem>> -> memref<50xi32, #tpu.memory_space<vmem>>
        %dma_start3A_204 = arith.constant 0 : i32
        %dma_start3A_205 = arith.constant 0 : i32
        %dma_start3A_206 = tpu.memref_slice %arg3[%dma_start3A_204, %dma_start3A_205] : memref<100000x64xf32, #tpu.memory_space<hbm>> -> memref<100000x64xf32, #tpu.memory_space<hbm>>
        tpu.enqueue_indirect_dma source(%dma_start3A_206 : memref<100000x64xf32, #tpu.memory_space<hbm>>) target(%dma_start3A_200 : memref<50x64xf32, #tpu.memory_space<vmem>>) offsets(%dma_start3A_203 : memref<50xi32, #tpu.memory_space<vmem>>) semaphore(%arg8 : memref<!tpu.dma_semaphore, #tpu.memory_space<semaphore_mem>>)
        %mul3A_207 = arith.constant 8 : i32
        %mul3A_208 = arith.muli %add3A_128, %mul3A_207 : i32
        %add3A_209 = arith.constant 6 : i32
        %add3A_210 = arith.addi %mul3A_208, %add3A_209 : i32
        %dma_start3A_211 = arith.constant 300 : i32
        %dma_start3A_212 = arith.constant 0 : i32
        %dma_start3A_213 = tpu.memref_slice %arg6[%dma_start3A_211, %dma_start3A_212] : memref<400x64xf32, #tpu.memory_space<vmem>> -> memref<50x64xf32, #tpu.memory_space<vmem>>
        %dma_start3A_214 = arith.constant 0 : i32
        %dma_start3A_215 = tpu.memref_slice %arg5[%add3A_210, %dma_start3A_214] : memref<128x50xi32, #tpu.memory_space<vmem>> -> memref<1x50xi32, #tpu.memory_space<vmem>>
        %dma_start3A_216 = tpu.memref_squeeze %dma_start3A_215 : memref<1x50xi32, #tpu.memory_space<vmem>> -> memref<50xi32, #tpu.memory_space<vmem>>
        %dma_start3A_217 = arith.constant 0 : i32
        %dma_start3A_218 = arith.constant 0 : i32
        %dma_start3A_219 = tpu.memref_slice %arg3[%dma_start3A_217, %dma_start3A_218] : memref<100000x64xf32, #tpu.memory_space<hbm>> -> memref<100000x64xf32, #tpu.memory_space<hbm>>
        tpu.enqueue_indirect_dma source(%dma_start3A_219 : memref<100000x64xf32, #tpu.memory_space<hbm>>) target(%dma_start3A_213 : memref<50x64xf32, #tpu.memory_space<vmem>>) offsets(%dma_start3A_216 : memref<50xi32, #tpu.memory_space<vmem>>) semaphore(%arg8 : memref<!tpu.dma_semaphore, #tpu.memory_space<semaphore_mem>>)
        %mul3A_220 = arith.constant 8 : i32
        %mul3A_221 = arith.muli %add3A_128, %mul3A_220 : i32
        %add3A_222 = arith.constant 7 : i32
        %add3A_223 = arith.addi %mul3A_221, %add3A_222 : i32
        %dma_start3A_224 = arith.constant 350 : i32
        %dma_start3A_225 = arith.constant 0 : i32
        %dma_start3A_226 = tpu.memref_slice %arg6[%dma_start3A_224, %dma_start3A_225] : memref<400x64xf32, #tpu.memory_space<vmem>> -> memref<50x64xf32, #tpu.memory_space<vmem>>
        %dma_start3A_227 = arith.constant 0 : i32
        %dma_start3A_228 = tpu.memref_slice %arg5[%add3A_223, %dma_start3A_227] : memref<128x50xi32, #tpu.memory_space<vmem>> -> memref<1x50xi32, #tpu.memory_space<vmem>>
        %dma_start3A_229 = tpu.memref_squeeze %dma_start3A_228 : memref<1x50xi32, #tpu.memory_space<vmem>> -> memref<50xi32, #tpu.memory_space<vmem>>
        %dma_start3A_230 = arith.constant 0 : i32
        %dma_start3A_231 = arith.constant 0 : i32
        %dma_start3A_232 = tpu.memref_slice %arg3[%dma_start3A_230, %dma_start3A_231] : memref<100000x64xf32, #tpu.memory_space<hbm>> -> memref<100000x64xf32, #tpu.memory_space<hbm>>
        tpu.enqueue_indirect_dma source(%dma_start3A_232 : memref<100000x64xf32, #tpu.memory_space<hbm>>) target(%dma_start3A_226 : memref<50x64xf32, #tpu.memory_space<vmem>>) offsets(%dma_start3A_229 : memref<50xi32, #tpu.memory_space<vmem>>) semaphore(%arg8 : memref<!tpu.dma_semaphore, #tpu.memory_space<semaphore_mem>>)
      } else {
      }
      %mul3A_122 = arith.constant 8 : i32
      %mul3A_123 = arith.muli %add3A_108, %mul3A_122 : i32
      %add3A_124 = arith.addi %mul3A_2, %mul3A_123 : i32
      %mul3A_125 = arith.constant 50 : i32
      %mul3A_126 = arith.muli %add3A_124, %mul3A_125 : i32
      "tpu.region"() ({
        %run_scoped3A = tpu.sem_alloc : memref<!tpu.dma_semaphore, #tpu.memory_space<semaphore_mem>>
        %dma_start3A_127 = arith.constant 0 : i32
        %dma_start3A_128 = tpu.memref_slice %arg4[%mul3A_126, %dma_start3A_127] : memref<204800x64xf32, #tpu.memory_space<hbm>> -> memref<400x64xf32, #tpu.memory_space<hbm>>
        %dma_start3A_129 = arith.constant 0 : i32
        %dma_start3A_130 = tpu.memref_slice %arg4[%mul3A_126, %dma_start3A_129] : memref<204800x64xf32, #tpu.memory_space<hbm>> -> memref<400x64xf32, #tpu.memory_space<hbm>>
        tpu.enqueue_dma source(%arg7 : memref<400x64xf32, #tpu.memory_space<vmem>>) target(%dma_start3A_130 : memref<400x64xf32, #tpu.memory_space<hbm>>) target_semaphore(%run_scoped3A : memref<!tpu.dma_semaphore, #tpu.memory_space<semaphore_mem>>)
        %dma_wait3A_131 = arith.constant 0 : i32
        %dma_wait3A_132 = tpu.memref_slice %arg4[%mul3A_126, %dma_wait3A_131] : memref<204800x64xf32, #tpu.memory_space<hbm>> -> memref<400x64xf32, #tpu.memory_space<hbm>>
        %dma_wait3A_133 = arith.constant 0 : i32
        %dma_wait3A_134 = tpu.memref_slice %arg4[%mul3A_126, %dma_wait3A_133] : memref<204800x64xf32, #tpu.memory_space<hbm>> -> memref<400x64xf32, #tpu.memory_space<hbm>>
        tpu.wait_dma2 semaphore(%run_scoped3A : memref<!tpu.dma_semaphore, #tpu.memory_space<semaphore_mem>>) src(%arg7 : memref<400x64xf32, #tpu.memory_space<vmem>>) dst(%dma_wait3A_134 : memref<400x64xf32, #tpu.memory_space<hbm>>)
        tpu.yield
      }) : () -> ()
    }
    %scan3A_85 = arith.constant 8 : i32
    return
  }
}

</mosaic_0001>

<sc_bundles>
// kernel: kernel.4.cloned.1.call-start
scs
__scs_entry_jumppad:
0x0: {  	(pc) =	sbr.rel $0x88, $3  }
0x1: {  	(tag) =	ssettag $0x0;
	lr =	simm.s32 $0x1  }
0x2: {  	[smem:$0x3F9D] =	sst lr;
	_ =	strace $0xD0000000  }
0x3: {  	_ = 	snop  }
0x4: {  	_ = 	snop  }
0x5: {  	_ = 	snop  }
0x6: {  	_ = 	snop  }
0x7: {  	_ = 	snop  }
__scs_overlays_trampoline_lowered:
0x8: {  	[smem:$0x3FAC] =	sst s0  }
0x9: {  	[smem:$0x3FAD] =	sst s1  }
0xa: {  	[smem:$0x3FAE] =	sst s2  }
0xb: {  	[smem:$0x3FAF] =	sst s3  }
0xc: {  	[smem:$0x3FB0] =	sst s4  }
0xd: {  	[smem:$0x3FB1] =	sst s5  }
0xe: {  	[smem:$0x3FB2] =	sst s6  }
0xf: {  	[smem:$0x3FB3] =	sst s7  }
0x10: {  	[smem:$0x3FB4] =	sst s8  }
0x11: {  	[smem:$0x3FB5] =	sst s9;
	s0 =	simm.s32 @!p0 $0x0  }
0x12: {  	s1 =	sld [smem:$0x3F9B];
	s0 =	simm.s32 @p0 $0x1  }
0x13: {  	[smem:$0x3FB6] =	sst s0;
	s0 =	simm.s32 @!p1 $0x0  }
0x14: {  	s2 =	sld [smem:$0x3F9A];
	s0 =	simm.s32 @p1 $0x1  }
0x15: {  	[smem:$0x3FB7] =	sst s0;
	s0 =	simm.s32 @!p2 $0x0  }
0x16: {  	s3 =	sld [smem:$0x3FDB];
	s0 =	simm.s32 @p2 $0x1  }
0x17: {  	s4 =	simm.s32 $0x1BF5;
	[smem:$0x3FB9] =	sst s0  }
0x18: {  	s0 =	sld [smem:$0x3F9C];
	_ =	swait.ge [sflag:s4], $0x0  }
0x19: {  	s7 =	sld [smem:$0x3F9D]  }
0x1a: {  	s8 =	sadd.s32 $0xFFFFE003, lr  }
0x1b: {  	s9 =	sadd.s32 $0xFFFFFEF7, lr;
	s5 =	simm.s32 $0xFFFFFFFF;
	p2 =	slt.u32 s8, $0xFFFFF086  }
0x1c: {  	p1 =	slt.u32 s9, $0xF7A;
	s5 =	simm.s32 @!p2 $0x0  }
0x1d: {  	s5 =	simm.s32 @p1 $0x1;
	p0 =	seq.s32 s7, s2  }
0x1e: {  	s7 =	smul.u32 @!p0 $0xF7A, s2;
	p2 =	seq.s32 @!p0 s5, $0x0  }
0x1f: {  	s9 =	smul.u32 $0xF7A, s1;
	s8 =	simm.s32 @!p0 $0x1BF5;
	p2 =	por !p2, p0  }
0x20: {  	[sflag:s8] =	ssyncset.s32 @!p0 $0xFFFFF086;
	s6 =	sadd.s32 @!p0 s3, s7;
	s7 =	simm.s32 @!p0 $0x108  }
0x21: {  	s3 =	sadd.s32 s3, s9;
	s6 =	sadd.s32 @!p0 $0x88, s6;
	s7 =	simm.s32 @p2 $0x1082  }
0x22: {  	[simem:s7], [sflag:s8] =	dma.local @!p0 [hbm:s6], $0xF7A  }
0x23: {  	s9 =	sor.u32 $0xD0000000, s2;
	s6 =	simm.s32 $0x108;
	_ =	swait.ge @!p0 [sflag:s8], $0x0  }
0x24: {  	s3 =	sadd.s32 $0x88, s3;
	s6 =	simm.s32 @!p1 $0x1082;
	[sflag:s4] =	ssyncset.s32 $0xFFFFF086  }
0x25: {  	[simem:s6], [sflag:s4] =	dma.local [hbm:s3], $0xF7A  }
0x26: {  	[smem:$0x3F9D] =	sst s1;
	(tag) =	ssettag s2;
	_ =	strace s9  }
0x27: {  	s1 =	sld [smem:$0x3FAD]  }
0x28: {  	s2 =	sld [smem:$0x3FAE]  }
0x29: {  	s4 =	sld [smem:$0x3FB0]  }
0x2a: {  	p0 =	seq.s32 s5, $0x0;
	s5 =	sld [smem:$0x3FB1]  }
0x2b: {  	s6 =	sld [smem:$0x3FB2]  }
0x2c: {  	s7 =	sld [smem:$0x3FB3]  }
0x2d: {  	s3 =	simm.s32 $0x108;
	s8 =	sld [smem:$0x3FB4]  }
0x2e: {  	s3 =	simm.s32 @!p0 $0x1082;
	s9 =	sld [smem:$0x3FB5]  }
0x2f: {  	lr =	sadd.s32 s0, s3;
	s0 =	sld [smem:$0x3FAC]  }
0x30: {  	s3 =	sld [smem:$0x3FAF]  }
0x31: {  	[smem:$0x3FB8] =	sst s10  }
0x32: {  	s10 =	sld [smem:$0x3FB6];
	_ =	sdelay $0x3  }
0x33: {  	p0 =	seq.s32 s10, $0x1;
	s10 =	sld [smem:$0x3FB8];
	_ =	sdelay $0x3  }
0x34: {  	[smem:$0x3FB8] =	sst s10  }
0x35: {  	s10 =	sld [smem:$0x3FB7];
	_ =	sdelay $0x3  }
0x36: {  	p1 =	seq.s32 s10, $0x1;
	s10 =	sld [smem:$0x3FB8];
	_ =	sdelay $0x3  }
0x37: {  	[smem:$0x3FB8] =	sst s10  }
0x38: {  	s10 =	sld [smem:$0x3FB9]  }
0x39: {  	_ = 	snop;
	(pc) =	sbr.ind lr, $3  }
0x3a: {  	_ = 	snop  }
0x3b: {  	_ = 	snop  }
0x3c: {  	p2 =	seq.s32 s10, $0x1;
	s10 =	sld [smem:$0x3FB8]  }
0x3d: {  	_ =	shalt  }
0x3e: {  	_ =	shalt  }
0x3f: {  	_ =	shalt  }
0x40: {  	_ =	shalt  }
0x41: {  	_ =	shalt  }
0x42: {  	_ =	shalt  }
0x43: {  	_ =	shalt  }
0x44: {  	_ =	shalt  }
0x45: {  	_ =	shalt  }
0x46: {  	_ =	shalt  }
0x47: {  	_ =	shalt  }
0x48: {  	_ =	shalt  }
0x49: {  	_ =	shalt  }
0x4a: {  	_ =	shalt  }
0x4b: {  	_ =	shalt  }
0x4c: {  	_ =	shalt  }
0x4d: {  	_ =	shalt  }
0x4e: {  	_ =	shalt  }
0x4f: {  	_ =	shalt  }
0x50: {  	_ =	shalt  }
0x51: {  	_ =	shalt  }
0x52: {  	_ =	shalt  }
0x53: {  	_ =	shalt  }
0x54: {  	_ =	shalt  }
0x55: {  	_ =	shalt  }
0x56: {  	_ =	shalt  }
0x57: {  	_ =	shalt  }
0x58: {  	_ =	shalt  }
0x59: {  	_ =	shalt  }
0x5a: {  	_ =	shalt  }
0x5b: {  	_ =	shalt  }
0x5c: {  	_ =	shalt  }
0x5d: {  	_ =	shalt  }
0x5e: {  	_ =	shalt  }
0x5f: {  	_ =	shalt  }
0x60: {  	_ =	shalt  }
0x61: {  	_ =	shalt  }
0x62: {  	_ =	shalt  }
0x63: {  	_ =	shalt  }
0x64: {  	_ =	shalt  }
0x65: {  	_ =	shalt  }
0x66: {  	_ =	shalt  }
0x67: {  	_ =	shalt  }
0x68: {  	_ =	shalt  }
0x69: {  	_ =	shalt  }
0x6a: {  	_ =	shalt  }
0x6b: {  	_ =	shalt  }
0x6c: {  	_ =	shalt  }
0x6d: {  	_ =	shalt  }
0x6e: {  	_ =	shalt  }
0x6f: {  	_ =	shalt  }
0x70: {  	_ =	shalt  }
0x71: {  	_ =	shalt  }
0x72: {  	_ =	shalt  }
0x73: {  	_ =	shalt  }
0x74: {  	_ =	shalt  }
0x75: {  	_ =	shalt  }
0x76: {  	_ =	shalt  }
0x77: {  	_ =	shalt  }
0x78: {  	_ =	shalt  }
0x79: {  	_ =	shalt  }
0x7a: {  	_ =	shalt  }
0x7b: {  	_ =	shalt  }
0x7c: {  	_ =	shalt  }
0x7d: {  	_ =	shalt  }
0x7e: {  	_ =	shalt  }
0x7f: {  	_ =	shalt  }
0x80: {  	_ =	shalt  }
0x81: {  	_ =	shalt  }
0x82: {  	_ =	shalt  }
0x83: {  	_ =	shalt  }
0x84: {  	_ =	shalt  }
0x85: {  	_ =	shalt  }
0x86: {  	_ =	shalt  }
0x87: {  	_ =	shalt  }
.Lfunc_end0:
.L_simem_size_0:
called_computation.2_lowered:
.L_overlay_start_0:
0x88: {  	s2 =	sld [smem:$0x3FD9]  }
0x89: {  	s3 =	sld [smem:$0x3FFE];
	_ =	sdelay $0x1  }
0x8a: {  	s1 =	srdreg.scid  }
0x8b: {  	s0 =	sand.u32 $0x1, s1  }
0x8c: {  	s14 =	sshll.u32 s0, $0xA;
	s2 =	sadd.s32 s3, s2  }
0x8d: {  	s2 =	sadd.s32 s2, s14  }
0x8e: {  	[smem:$0x3FC4] =	sst s2  }
0x8f: {  	_ = 	snop  }
0x90: {  	s2 =	sld [smem:$0x3FD0];
	_ =	sdelay $0x2  }
0x91: {  	s15 =	simm.s32 $0xB;
	s4 =	simm.s32 $0x10  }
0x92: {  	[smem:s4], [sflag:s15] =	dma.local [hbm:s2], $0x1  }
0x93: {  	_ =	swait.eq [sflag:s15], $0x1  }
0x94: {  	[sflag:s15] =	ssyncset.done $0x0  }
0x95: {  	[sflag:s15] =	ssyncadd.s32 $0xFFFFFFFF  }
0x96: {  	s16 =	sld [smem:$0x10];
	(tm) =	ssettm $0x1  }
0x97: {  	s17 =	sld [smem:$0x3FFB];
	_ =	sdelay $0x3  }
0x98: {  	_ =	strace s17  }
0x99: {  	s3 =	sld [smem:$0x3FFC];
	_ =	sdelay $0x3  }
0x9a: {  	_ =	strace s3  }
0x9b: {  	s3 =	sld [smem:$0x3FFD];
	_ =	sdelay $0x3  }
0x9c: {  	_ =	strace s3  }
0x9d: {  	_ =	strace $0x8FFFFFFF  }
0x9e: {  	s18 =	sld [smem:$0x3FDB];
	_ =	sdelay $0x1  }
0x9f: {  	s19 =	simm.s32 $_scs_section_size  }
0xa0: {  	s5 =	simm.s32 $_size__tile_overlayer_lowered;
	s6 =	simm.s32 $_tile_overlayer_lowered  }
0xa1: {  	s22 =	simm.s32 $0x1BFF;
	s21 =	sshll.u32 s6, $0x1;
	s3 =	sadd.s32 s19, s18  }
0xa2: {  	s7 =	simm.s32 $0x0;
	s20 =	sshll.u32 s5, $0x1;
	s5 =	sadd.s32 s21, s3  }
0xa3: {  	[timem:s7], [sflag:s22] =	dma.local [hbm:s5], s20  }
0xa4: {  	_ =	swait.ge [sflag:s22], s20  }
0xa5: {  	s4 =	ssub.s32 $0x0, s20;
	[sflag:s22] =	ssyncset.done $0x0  }
0xa6: {  	[sflag:s22] =	ssyncadd.s32 s4;
	_ =	sdelay $0x1  }
0xa7: {  	s23 =	simm.s32 $0x1B8B  }
0xa8: {  	_ =	swait.ge [sflag:s23], $0x1  }
0xa9: {  	[sflag:s23] =	ssyncset.done $0x0  }
0xaa: {  	s25 =	simm.s32 $0x1B8E;
	s24 =	sld [smem:$0x3FFE];
	[sflag:s23] =	ssyncadd.s32 $0xFFFFFFFF  }
0xab: {  	s26 =	simm.s32 $execute0_lowered;
	[smem:$0x3FD2] =	sst s25  }
0xac: {  	s5 =	sshll.u32 s26, $0x1;
	_ =	strace $0x80000046;
	[dreg:$0x1] =	wrdreg $0xFFFFFFFF  }
0xad: {  	s28 =	simm.s32 $_size_execute0_lowered;
	s3 =	sadd.s32 s3, s5;
	[dreg:$0x0] =	wrdreg $0x0  }
0xae: {  	s5 =	sshll.u32 s28, $0x1;
	[dreg:$0x2] =	wrdreg s3  }
0xaf: {  	[dreg:$0x3] =	wrdreg s5  }
0xb0: {  	[dreg:$0x4] =	wrdreg $0xC0  }
0xb1: {  	_ =	task [dreg:s7], $0x5FFFF  }
0xb2: {  	[dreg:$0x1] =	wrdreg $0xFFFFFFFF  }
0xb3: {  	[dreg:$0x0] =	wrdreg $0x60  }
0xb4: {  	[dreg:$0x2] =	wrdreg s24  }
0xb5: {  	[dreg:$0x3] =	wrdreg s16  }
0xb6: {  	[dreg:$0x4] =	wrdreg $0x9  }
0xb7: {  	_ =	task.clear_ibuf [dreg:s7], $0x5FFFF;
	_ =	strace $0x90000046  }
0xb8: {  	s29 =	simm.s32 $0x9;
	_ =	strace $0x80000048  }
0xb9: {  	_ =	swait.ge [sflag:s29], $0x1  }
0xba: {  	[sflag:s29] =	ssyncadd.s32 $0xFFFFFFFF  }
0xbb: {  	_ =	strace $0x90000048  }
0xbc: {  	_ =	sfence  }
0xbd: {  	s30 =	sld [smem:$0x0];
	_ =	sdelay $0x2  }
0xbe: {  	s31 =	sshll.u32 s1, $0xD;
	s1 =	sshrl.u32 s1, $0x2  }
0xbf: {  	s3 =	sand.u32 $0x4000, s31;
	s1 =	sadd.s32 s1, s30  }
0xc0: {  	s0 =	sor.u32 s3, s0;
	s1 =	sshll.u32 s1, $0x11  }
0xc1: {  	s0 =	sor.u32 s1, s0  }
0xc2: {  	s0 =	sadd.s32 $0x8F2B, s0  }
0xc3: {  	[sflag:s0] =	ssyncadd.remote.s32 $0x1  }
0xc4: {  	_ =	sfence.sel $0xFFFF  }
0xc5: {  	[dreg:$0x0] =	wrdreg $0xFFFFFFFF;
	(pc) =	sbr.abs _section_cstart, $3  }
0xc6: {  	[dreg:$0x1] =	wrdreg $0xFFFFFFFF  }
0xc7: {  	_ =	task.clear_ibuf [dreg:s7], $0x2FFFF;
	_ =	strace $0x9FFFFFFF  }
0xc8: {  	(tm) =	ssettm $0x7FFFFFFF  }
0xc9: {  	_ =	shalt  }
tec
execute0_lowered:
.L_overlay_start_1:
0x0: {  	(tag) =	ssettag $0x1  }
0x1: {  	s0 =	srdreg.scid;
	s1 =	rddreg [dreg:$0x0]  }
0x2: {  	s9 =	stileid.u32;
	s8 =	rddreg [dreg:$0x1];
	s10 =	simm.s32 $0x32  }
0x3: {  	s11 =	simm.s32 $0x1C00;
	s13 =	simm.s32 $0x2880;
	s15 =	simm.s32 $0x3500  }
0x4: {  	s17 =	simm.s32 $0x4180;
	s19 =	simm.s32 $0x4E00;
	s21 =	simm.s32 $0x5A80  }
0x5: {  	s23 =	simm.s32 $0x6700;
	s28 =	simm.s32 $0x8000;
	s29 =	simm.s32 $0x8C80  }
0x6: {  	s30 =	simm.s32 $0x9900;
	s31 =	simm.s32 $0xA580;
	s12 =	simm.s32 $0xCB00  }
0x7: {  	s14 =	simm.s32 $0xD780;
	s22 =	simm.s32 $0x0;
	s0 =	sand.u32 $0x1, s0  }
0x8: {  	s2 =	sshll.u32 s9, $0x8;
	s9 =	smul.u32 $0x19000, s9;
	s3 =	sshll.u32 s0, $0x7  }
0x9: {  	s6 =	ssub.s32 $0x2, s0;
	s0 =	smul.u32 $0xC800, s0;
	s4 =	sor.u32 s3, s2  }
0xa: {  	s2 =	simm.s32 $0x0;
	s24 =	sshrl.u32 s6, $0x1;
	s26 =	sadd.s32 s9, s8  }
0xb: {  	s9 =	simm.s32 $0x2;
	s3 =	smul.u32 $0x7, s4;
	[smem:$0x7FF] =	sst s2  }
0xc: {  	s7 =	smul.u32 $0x190, s4;
	s16 =	sadd.s32 s0, s26;
	s26 =	simm.s32 $0x1  }
0xd: {  	s0 =	simm.s32 $0xBE80;
	_ =	strace $0x80000047;
	s5 =	sadd.s32 s3, s1  }
0xe: {  	s3 =	sadd.s32 $0x9E00, s1;
	s1 =	ssub.s32 s6, s24;
	s25 =	sadd.s32 s8, s7  }
0xf: {  	s4 =	sadd.s32 $0x2E00, s5;
	s5 =	smax.u32 s1, $0x1;
	s6 =	sadd.s32 $0xAF00, s25  }
0x10: {  	s7 =	sadd.s32 $0xBB80, s25;
	s25 =	simm.s32 $0x7380;
	s1 =	simm.s32 $0xB200  }
.LBB2_1:
0x11: {  	[tilespmem:s2], [sflag:$0x2] =	stream.linear.gather [hbm4b:s4+s2], $0x1C00, $0x38;
	[tilespmem:$0xE400] =	vst v63  }
0x12: {  	_ =	swait.ge [sflag:s9], $0x1C00  }
0x13: {  	[sflag:s9] =	ssyncset.done $0x0  }
0x14: {  	[sflag:s9] =	ssyncadd.s32 $0xFFFFE400  }
0x15: {  	[tilespmem:s11], [sflag:$0x1] =	stream.indirect.gather [hbm4b:s3+s10], $0x40, s2, s10, $0xb8;
	[tilespmem:$0xE400] =	vst v63  }
0x16: {  	s8 =	simm.s32 $0x38  }
0x17: {  	[tilespmem:s13], [sflag:$0x1] =	stream.indirect.gather [hbm4b:s3+s10], $0x40, s8, s10, $0xb8;
	[tilespmem:$0xE400] =	vst v63  }
0x18: {  	s20 =	simm.s32 $0x70  }
0x19: {  	[tilespmem:s15], [sflag:$0x1] =	stream.indirect.gather [hbm4b:s3+s10], $0x40, s20, s10, $0xb8;
	[tilespmem:$0xE400] =	vst v63  }
0x1a: {  	s24 =	simm.s32 $0xA8  }
0x1b: {  	[tilespmem:s17], [sflag:$0x1] =	stream.indirect.gather [hbm4b:s3+s10], $0x40, s24, s10, $0xb8;
	[tilespmem:$0xE400] =	vst v63  }
0x1c: {  	s18 =	simm.s32 $0xE0  }
0x1d: {  	[tilespmem:s19], [sflag:$0x1] =	stream.indirect.gather [hbm4b:s3+s10], $0x40, s18, s10, $0xb8;
	[tilespmem:$0xE400] =	vst v63  }
0x1e: {  	s20 =	simm.s32 $0x118  }
0x1f: {  	[tilespmem:s21], [sflag:$0x1] =	stream.indirect.gather [hbm4b:s3+s10], $0x40, s20, s10, $0xb8;
	[tilespmem:$0xE400] =	vst v63  }
0x20: {  	s24 =	simm.s32 $0x150  }
0x21: {  	[tilespmem:s23], [sflag:$0x1] =	stream.indirect.gather [hbm4b:s3+s10], $0x40, s24, s10, $0xb8;
	[tilespmem:$0xE400] =	vst v63  }
0x22: {  	s18 =	simm.s32 $0x188  }
0x23: {  	[tilespmem:s25], [sflag:$0x1] =	stream.indirect.gather [hbm4b:s3+s10], $0x40, s18, s10, $0xb8;
	[tilespmem:$0xE400] =	vst v63  }
0x24: {  	_ =	swait.ge [sflag:s26], $0x6400  }
0x25: {  	[sflag:s26] =	ssyncset.done $0x0  }
0x26: {  	s20 =	simm.s32 $0x1C0;
	[sflag:s26] =	ssyncadd.s32 $0xFFFF9C00  }
0x27: {  	[tilespmem:s28], [sflag:$0x1] =	stream.indirect.gather [hbm4b:s3+s10], $0x40, s20, s10, $0xb8;
	[tilespmem:$0xE400] =	vst v63  }
0x28: {  	s24 =	simm.s32 $0x1F8  }
0x29: {  	[tilespmem:s29], [sflag:$0x1] =	stream.indirect.gather [hbm4b:s3+s10], $0x40, s24, s10, $0xb8;
	[tilespmem:$0xE400] =	vst v63  }
0x2a: {  	s18 =	simm.s32 $0x230  }
0x2b: {  	[tilespmem:s30], [sflag:$0x1] =	stream.indirect.gather [hbm4b:s3+s10], $0x40, s18, s10, $0xb8;
	[tilespmem:$0xE400] =	vst v63  }
0x2c: {  	s20 =	simm.s32 $0x268  }
0x2d: {  	[tilespmem:s31], [sflag:$0x1] =	stream.indirect.gather [hbm4b:s3+s10], $0x40, s20, s10, $0xb8;
	[tilespmem:$0xE400] =	vst v63  }
0x2e: {  	s24 =	simm.s32 $0x2A0  }
0x2f: {  	[tilespmem:s1], [sflag:$0x1] =	stream.indirect.gather [hbm4b:s3+s10], $0x40, s24, s10, $0xb8;
	[tilespmem:$0xE400] =	vst v63  }
0x30: {  	s18 =	simm.s32 $0x2D8  }
0x31: {  	[tilespmem:s0], [sflag:$0x1] =	stream.indirect.gather [hbm4b:s3+s10], $0x40, s18, s10, $0xb8;
	[tilespmem:$0xE400] =	vst v63  }
0x32: {  	s20 =	simm.s32 $0x310  }
0x33: {  	[tilespmem:s12], [sflag:$0x1] =	stream.indirect.gather [hbm4b:s3+s10], $0x40, s20, s10, $0xb8;
	[tilespmem:$0xE400] =	vst v63  }
0x34: {  	s24 =	simm.s32 $0x348  }
0x35: {  	[tilespmem:s14], [sflag:$0x1] =	stream.indirect.gather [hbm4b:s3+s10], $0x40, s24, s10, $0xb8;
	[tilespmem:$0xE400] =	vst v63  }
0x36: {  	_ = 	snop  }
0x37: {  	[hbm4b:s16+s2] =	stream.linear.scatter [tilespmem:s11], [sflag:$0x2], $0x6400, $0x38;
	[tilespmem:$0xE400] =	vst v63  }
0x38: {  	_ =	swait.ge [sflag:s9], $0x6400  }
0x39: {  	[sflag:s9] =	ssyncset.done $0x0  }
0x3a: {  	[sflag:s9] =	ssyncadd.s32 $0xFFFF9C00  }
0x3b: {  	_ =	swait.ge [sflag:s26], $0x6400  }
0x3c: {  	[sflag:s26] =	ssyncset.done $0x0  }
0x3d: {  	s18 =	simm.s32 $0x380;
	[sflag:s26] =	ssyncadd.s32 $0xFFFF9C00  }
0x3e: {  	[tilespmem:s11], [sflag:$0x1] =	stream.indirect.gather [hbm4b:s3+s10], $0x40, s18, s10, $0xb8;
	[tilespmem:$0xE400] =	vst v63  }
0x3f: {  	s20 =	simm.s32 $0x3B8  }
0x40: {  	[tilespmem:s13], [sflag:$0x1] =	stream.indirect.gather [hbm4b:s3+s10], $0x40, s20, s10, $0xb8;
	[tilespmem:$0xE400] =	vst v63  }
0x41: {  	s24 =	simm.s32 $0x3F0  }
0x42: {  	[tilespmem:s15], [sflag:$0x1] =	stream.indirect.gather [hbm4b:s3+s10], $0x40, s24, s10, $0xb8;
	[tilespmem:$0xE400] =	vst v63  }
0x43: {  	s18 =	simm.s32 $0x428  }
0x44: {  	[tilespmem:s17], [sflag:$0x1] =	stream.indirect.gather [hbm4b:s3+s10], $0x40, s18, s10, $0xb8;
	[tilespmem:$0xE400] =	vst v63  }
0x45: {  	s20 =	simm.s32 $0x460  }
0x46: {  	[tilespmem:s19], [sflag:$0x1] =	stream.indirect.gather [hbm4b:s3+s10], $0x40, s20, s10, $0xb8;
	[tilespmem:$0xE400] =	vst v63  }
0x47: {  	s24 =	simm.s32 $0x498  }
0x48: {  	[tilespmem:s21], [sflag:$0x1] =	stream.indirect.gather [hbm4b:s3+s10], $0x40, s24, s10, $0xb8;
	[tilespmem:$0xE400] =	vst v63  }
0x49: {  	s18 =	simm.s32 $0x4D0  }
0x4a: {  	[tilespmem:s23], [sflag:$0x1] =	stream.indirect.gather [hbm4b:s3+s10], $0x40, s18, s10, $0xb8;
	[tilespmem:$0xE400] =	vst v63  }
0x4b: {  	s20 =	simm.s32 $0x508  }
0x4c: {  	[tilespmem:s25], [sflag:$0x1] =	stream.indirect.gather [hbm4b:s3+s10], $0x40, s20, s10, $0xb8;
	[tilespmem:$0xE400] =	vst v63  }
0x4d: {  	s24 =	sadd.s32 $0xC80, s16  }
0x4e: {  	[hbm4b:s24+s2] =	stream.linear.scatter [tilespmem:s28], [sflag:$0x2], $0x6400, $0x38;
	[tilespmem:$0xE400] =	vst v63  }
0x4f: {  	_ =	swait.ge [sflag:s9], $0x6400  }
0x50: {  	s8 =	smov.u32 s16;
	s24 =	simm.s32 $0xE00;
	[sflag:s9] =	ssyncset.done $0x0  }
.LBB2_2:
0x51: {  	p0 =	sne.s32 s24, $0x5400;
	[sflag:s9] =	ssyncadd.s32 $0xFFFF9C00;
	s8 =	sadd.s32 $0x1900, s8  }
0x52: {  	s18 =	smov.u32 s24;
	s24 =	sadd.s32 $0xE00, s24  }
0x53: {  	_ =	swait.ge [sflag:s26], $0x6400  }
0x54: {  	s18 =	sshra.s32 s18, $0x2;
	[sflag:s26] =	ssyncset.done $0x0  }
0x55: {  	s20 =	sadd.s32 $0x1C0, s18;
	[sflag:s26] =	ssyncadd.s32 $0xFFFF9C00  }
0x56: {  	[tilespmem:s28], [sflag:$0x1] =	stream.indirect.gather [hbm4b:s3+s10], $0x40, s20, s10, $0xb8;
	[tilespmem:$0xE400] =	vst v63  }
0x57: {  	s20 =	sadd.s32 $0x1F8, s18  }
0x58: {  	[tilespmem:s29], [sflag:$0x1] =	stream.indirect.gather [hbm4b:s3+s10], $0x40, s20, s10, $0xb8;
	[tilespmem:$0xE400] =	vst v63  }
0x59: {  	s20 =	sadd.s32 $0x230, s18  }
0x5a: {  	[tilespmem:s30], [sflag:$0x1] =	stream.indirect.gather [hbm4b:s3+s10], $0x40, s20, s10, $0xb8;
	[tilespmem:$0xE400] =	vst v63  }
0x5b: {  	s20 =	sadd.s32 $0x268, s18  }
0x5c: {  	[tilespmem:s31], [sflag:$0x1] =	stream.indirect.gather [hbm4b:s3+s10], $0x40, s20, s10, $0xb8;
	[tilespmem:$0xE400] =	vst v63  }
0x5d: {  	s20 =	sadd.s32 $0x2A0, s18  }
0x5e: {  	[tilespmem:s1], [sflag:$0x1] =	stream.indirect.gather [hbm4b:s3+s10], $0x40, s20, s10, $0xb8;
	[tilespmem:$0xE400] =	vst v63  }
0x5f: {  	s20 =	sadd.s32 $0x2D8, s18  }
0x60: {  	[tilespmem:s0], [sflag:$0x1] =	stream.indirect.gather [hbm4b:s3+s10], $0x40, s20, s10, $0xb8;
	[tilespmem:$0xE400] =	vst v63  }
0x61: {  	s20 =	sadd.s32 $0x310, s18  }
0x62: {  	[tilespmem:s12], [sflag:$0x1] =	stream.indirect.gather [hbm4b:s3+s10], $0x40, s20, s10, $0xb8;
	[tilespmem:$0xE400] =	vst v63  }
0x63: {  	s20 =	sadd.s32 $0x348, s18  }
0x64: {  	[tilespmem:s14], [sflag:$0x1] =	stream.indirect.gather [hbm4b:s3+s10], $0x40, s20, s10, $0xb8;
	[tilespmem:$0xE400] =	vst v63  }
0x65: {  	_ = 	snop  }
0x66: {  	[hbm4b:s8+s2] =	stream.linear.scatter [tilespmem:s11], [sflag:$0x2], $0x6400, $0x38;
	[tilespmem:$0xE400] =	vst v63  }
0x67: {  	_ =	swait.ge [sflag:s9], $0x6400  }
0x68: {  	[sflag:s9] =	ssyncset.done $0x0  }
0x69: {  	[sflag:s9] =	ssyncadd.s32 $0xFFFF9C00  }
0x6a: {  	_ =	swait.ge [sflag:s26], $0x6400  }
0x6b: {  	[sflag:s26] =	ssyncset.done $0x0  }
0x6c: {  	s20 =	sadd.s32 $0x380, s18;
	[sflag:s26] =	ssyncadd.s32 $0xFFFF9C00  }
0x6d: {  	[tilespmem:s11], [sflag:$0x1] =	stream.indirect.gather [hbm4b:s3+s10], $0x40, s20, s10, $0xb8;
	[tilespmem:$0xE400] =	vst v63  }
0x6e: {  	s20 =	sadd.s32 $0x3B8, s18  }
0x6f: {  	[tilespmem:s13], [sflag:$0x1] =	stream.indirect.gather [hbm4b:s3+s10], $0x40, s20, s10, $0xb8;
	[tilespmem:$0xE400] =	vst v63  }
0x70: {  	s20 =	sadd.s32 $0x3F0, s18  }
0x71: {  	[tilespmem:s15], [sflag:$0x1] =	stream.indirect.gather [hbm4b:s3+s10], $0x40, s20, s10, $0xb8;
	[tilespmem:$0xE400] =	vst v63  }
0x72: {  	s20 =	sadd.s32 $0x428, s18  }
0x73: {  	[tilespmem:s17], [sflag:$0x1] =	stream.indirect.gather [hbm4b:s3+s10], $0x40, s20, s10, $0xb8;
	[tilespmem:$0xE400] =	vst v63  }
0x74: {  	s20 =	sadd.s32 $0x460, s18  }
0x75: {  	[tilespmem:s19], [sflag:$0x1] =	stream.indirect.gather [hbm4b:s3+s10], $0x40, s20, s10, $0xb8;
	[tilespmem:$0xE400] =	vst v63  }
0x76: {  	s20 =	sadd.s32 $0x498, s18  }
0x77: {  	[tilespmem:s21], [sflag:$0x1] =	stream.indirect.gather [hbm4b:s3+s10], $0x40, s20, s10, $0xb8;
	[tilespmem:$0xE400] =	vst v63  }
0x78: {  	s20 =	sadd.s32 $0x4D0, s18  }
0x79: {  	[tilespmem:s23], [sflag:$0x1] =	stream.indirect.gather [hbm4b:s3+s10], $0x40, s20, s10, $0xb8;
	[tilespmem:$0xE400] =	vst v63  }
0x7a: {  	s18 =	sadd.s32 $0x508, s18  }
0x7b: {  	[tilespmem:s25], [sflag:$0x1] =	stream.indirect.gather [hbm4b:s3+s10], $0x40, s18, s10, $0xb8;
	[tilespmem:$0xE400] =	vst v63  }
.Ltmp0:
0x7c: {  	_ = 	snop;
	(pc) =	sbr.rel @p0 .LBB2_2-.Ltmp0, $4  }
0x7d: {  	s18 =	sadd.s32 $0xC80, s8  }
0x7e: {  	[hbm4b:s18+s2] =	stream.linear.scatter [tilespmem:s28], [sflag:$0x2], $0x6400, $0x38;
	[tilespmem:$0xE400] =	vst v63  }
0x7f: {  	_ =	swait.ge [sflag:s9], $0x6400  }
0x80: {  	[sflag:s9] =	ssyncset.done $0x0  }
0x81: {  	[sflag:s9] =	ssyncadd.s32 $0xFFFF9C00  }
0x82: {  	_ =	swait.ge [sflag:s26], $0x6400  }
0x83: {  	[sflag:s26] =	ssyncset.done $0x0  }
0x84: {  	s8 =	simm.s32 $0x1A40;
	[sflag:s26] =	ssyncadd.s32 $0xFFFF9C00  }
0x85: {  	[tilespmem:s28], [sflag:$0x1] =	stream.indirect.gather [hbm4b:s3+s10], $0x40, s8, s10, $0xb8;
	[tilespmem:$0xE400] =	vst v63  }
0x86: {  	s24 =	simm.s32 $0x1A78  }
0x87: {  	[tilespmem:s29], [sflag:$0x1] =	stream.indirect.gather [hbm4b:s3+s10], $0x40, s24, s10, $0xb8;
	[tilespmem:$0xE400] =	vst v63  }
0x88: {  	s18 =	simm.s32 $0x1AB0  }
0x89: {  	[tilespmem:s30], [sflag:$0x1] =	stream.indirect.gather [hbm4b:s3+s10], $0x40, s18, s10, $0xb8;
	[tilespmem:$0xE400] =	vst v63  }
0x8a: {  	s20 =	simm.s32 $0x1AE8  }
0x8b: {  	[tilespmem:s31], [sflag:$0x1] =	stream.indirect.gather [hbm4b:s3+s10], $0x40, s20, s10, $0xb8;
	[tilespmem:$0xE400] =	vst v63  }
0x8c: {  	s24 =	simm.s32 $0x1B20  }
0x8d: {  	[tilespmem:s1], [sflag:$0x1] =	stream.indirect.gather [hbm4b:s3+s10], $0x40, s24, s10, $0xb8;
	[tilespmem:$0xE400] =	vst v63  }
0x8e: {  	s18 =	simm.s32 $0x1B58  }
0x8f: {  	[tilespmem:s0], [sflag:$0x1] =	stream.indirect.gather [hbm4b:s3+s10], $0x40, s18, s10, $0xb8;
	[tilespmem:$0xE400] =	vst v63  }
0x90: {  	s20 =	simm.s32 $0x1B90  }
0x91: {  	[tilespmem:s12], [sflag:$0x1] =	stream.indirect.gather [hbm4b:s3+s10], $0x40, s20, s10, $0xb8;
	[tilespmem:$0xE400] =	vst v63  }
0x92: {  	s24 =	simm.s32 $0x1BC8  }
0x93: {  	[tilespmem:s14], [sflag:$0x1] =	stream.indirect.gather [hbm4b:s3+s10], $0x40, s24, s10, $0xb8;
	[tilespmem:$0xE400] =	vst v63  }
0x94: {  	_ = 	snop  }
0x95: {  	[hbm4b:s6+s2] =	stream.linear.scatter [tilespmem:s11], [sflag:$0x2], $0x6400, $0x38;
	[tilespmem:$0xE400] =	vst v63  }
0x96: {  	_ =	swait.ge [sflag:s9], $0x6400  }
0x97: {  	[sflag:s9] =	ssyncset.done $0x0  }
0x98: {  	[sflag:s9] =	ssyncadd.s32 $0xFFFF9C00  }
0x99: {  	s22 =	sadd.s32 $0x1, s22;
	_ =	swait.ge [sflag:s26], $0x6400  }
0x9a: {  	p0 =	sne.s32 s22, s5;
	[sflag:s26] =	ssyncset.done $0x0  }
.Ltmp1:
0x9b: {  	[sflag:s26] =	ssyncadd.s32 $0xFFFF9C00;
	(pc) =	sbr.rel @p0 .LBB2_1-.Ltmp1, $4  }
0x9c: {  	[hbm4b:s7+s2] =	stream.linear.scatter [tilespmem:s28], [sflag:$0x2], $0x6400, $0x38;
	[tilespmem:$0xE400] =	vst v63  }
0x9d: {  	_ =	swait.ge [sflag:s9], $0x6400  }
0x9e: {  	[sflag:s9] =	ssyncset.done $0x0  }
0x9f: {  	[sflag:s9] =	ssyncadd.s32 $0xFFFF9C00  }
0xa0: {  	_ =	sfence.sel $0x180000  }
0xa1: {  	[bflag:$0x0] =	sbarrier.arrive $0xFFFF  }
0xa2: {  	_ =	strace $0x90000047  }
0xa3: {  	s0 =	stileid.u32;
	[bflag:$0x2] =	sbarrier.arrive $0xFFFF  }
0xa4: {  	p0 =	sne.s32 s0, $0x0;
	s0 =	rddreg [dreg:$0x2]  }
0xa5: {  	s0 =	sadd.s32 @!p0 $0x100000, s0  }
0xa6: {  	[sflag:s0] =	ssyncadd.tile.s32 @!p0 $0x1;
	_ =	shalt  }
.Lfunc_end2:
_tile_overlayer_lowered:
.L_overlay_start_2:
0xa7: {  	(tag) =	ssettag $0x2  }
0xa8: {  	s0 =	rddreg [dreg:$0x0];
	s2 =	stileid.u32  }
0xa9: {  	s1 =	rddreg [dreg:$0x1];
	p0 =	sne.s32 s2, $0x0  }
0xaa: {  	s3 =	rddreg [dreg:$0x2];
	[bflag:$0x3] =	sbarrier.arrive $0xFFFF;
	s2 =	simm.s32 @!p0 $0x1C02  }
0xab: {  	[timem:s3], [sflag:s2] =	dma.local @!p0 [hbm:s0], s1  }
0xac: {  	s0 =	simm.s32 @!p0 $0x2  }
0xad: {  	_ =	swait.ge @!p0 [sflag:s0], s1  }
0xae: {  	s1 =	ssub.s32 @!p0 $0x0, s1;
	[sflag:s0] =	ssyncset.done @!p0 $0x0  }
0xaf: {  	[sflag:s0] =	ssyncadd.s32 @!p0 s1  }
0xb0: {  	[bflag:$0x3] =	sbarrier.arrive $0xFFFF  }
0xb1: {  	_ =	shalt  }

// kernel: kernel.7.cloned.1.call-start
scs
__scs_entry_jumppad:
0x0: {  	(pc) =	sbr.rel $0x88, $3  }
0x1: {  	(tag) =	ssettag $0x0;
	lr =	simm.s32 $0x1  }
0x2: {  	[smem:$0x3F9D] =	sst lr;
	_ =	strace $0xD0000000  }
0x3: {  	_ = 	snop  }
0x4: {  	_ = 	snop  }
0x5: {  	_ = 	snop  }
0x6: {  	_ = 	snop  }
0x7: {  	_ = 	snop  }
__scs_overlays_trampoline_lowered:
0x8: {  	[smem:$0x3FAC] =	sst s0  }
0x9: {  	[smem:$0x3FAD] =	sst s1  }
0xa: {  	[smem:$0x3FAE] =	sst s2  }
0xb: {  	[smem:$0x3FAF] =	sst s3  }
0xc: {  	[smem:$0x3FB0] =	sst s4  }
0xd: {  	[smem:$0x3FB1] =	sst s5  }
0xe: {  	[smem:$0x3FB2] =	sst s6  }
0xf: {  	[smem:$0x3FB3] =	sst s7  }
0x10: {  	[smem:$0x3FB4] =	sst s8  }
0x11: {  	[smem:$0x3FB5] =	sst s9;
	s0 =	simm.s32 @!p0 $0x0  }
0x12: {  	s1 =	sld [smem:$0x3F9B];
	s0 =	simm.s32 @p0 $0x1  }
0x13: {  	[smem:$0x3FB6] =	sst s0;
	s0 =	simm.s32 @!p1 $0x0  }
0x14: {  	s2 =	sld [smem:$0x3F9A];
	s0 =	simm.s32 @p1 $0x1  }
0x15: {  	[smem:$0x3FB7] =	sst s0;
	s0 =	simm.s32 @!p2 $0x0  }
0x16: {  	s3 =	sld [smem:$0x3FDB];
	s0 =	simm.s32 @p2 $0x1  }
0x17: {  	s4 =	simm.s32 $0x1BF5;
	[smem:$0x3FB9] =	sst s0  }
0x18: {  	s0 =	sld [smem:$0x3F9C];
	_ =	swait.ge [sflag:s4], $0x0  }
0x19: {  	s7 =	sld [smem:$0x3F9D]  }
0x1a: {  	s8 =	sadd.s32 $0xFFFFE003, lr  }
0x1b: {  	s9 =	sadd.s32 $0xFFFFFEF7, lr;
	s5 =	simm.s32 $0xFFFFFFFF;
	p2 =	slt.u32 s8, $0xFFFFF086  }
0x1c: {  	p1 =	slt.u32 s9, $0xF7A;
	s5 =	simm.s32 @!p2 $0x0  }
0x1d: {  	s5 =	simm.s32 @p1 $0x1;
	p0 =	seq.s32 s7, s2  }
0x1e: {  	s7 =	smul.u32 @!p0 $0xF7A, s2;
	p2 =	seq.s32 @!p0 s5, $0x0  }
0x1f: {  	s9 =	smul.u32 $0xF7A, s1;
	s8 =	simm.s32 @!p0 $0x1BF5;
	p2 =	por !p2, p0  }
0x20: {  	[sflag:s8] =	ssyncset.s32 @!p0 $0xFFFFF086;
	s6 =	sadd.s32 @!p0 s3, s7;
	s7 =	simm.s32 @!p0 $0x108  }
0x21: {  	s3 =	sadd.s32 s3, s9;
	s6 =	sadd.s32 @!p0 $0x88, s6;
	s7 =	simm.s32 @p2 $0x1082  }
0x22: {  	[simem:s7], [sflag:s8] =	dma.local @!p0 [hbm:s6], $0xF7A  }
0x23: {  	s9 =	sor.u32 $0xD0000000, s2;
	s6 =	simm.s32 $0x108;
	_ =	swait.ge @!p0 [sflag:s8], $0x0  }
0x24: {  	s3 =	sadd.s32 $0x88, s3;
	s6 =	simm.s32 @!p1 $0x1082;
	[sflag:s4] =	ssyncset.s32 $0xFFFFF086  }
0x25: {  	[simem:s6], [sflag:s4] =	dma.local [hbm:s3], $0xF7A  }
0x26: {  	[smem:$0x3F9D] =	sst s1;
	(tag) =	ssettag s2;
	_ =	strace s9  }
0x27: {  	s1 =	sld [smem:$0x3FAD]  }
0x28: {  	s2 =	sld [smem:$0x3FAE]  }
0x29: {  	s4 =	sld [smem:$0x3FB0]  }
0x2a: {  	p0 =	seq.s32 s5, $0x0;
	s5 =	sld [smem:$0x3FB1]  }
0x2b: {  	s6 =	sld [smem:$0x3FB2]  }
0x2c: {  	s7 =	sld [smem:$0x3FB3]  }
0x2d: {  	s3 =	simm.s32 $0x108;
	s8 =	sld [smem:$0x3FB4]  }
0x2e: {  	s3 =	simm.s32 @!p0 $0x1082;
	s9 =	sld [smem:$0x3FB5]  }
0x2f: {  	lr =	sadd.s32 s0, s3;
	s0 =	sld [smem:$0x3FAC]  }
0x30: {  	s3 =	sld [smem:$0x3FAF]  }
0x31: {  	[smem:$0x3FB8] =	sst s10  }
0x32: {  	s10 =	sld [smem:$0x3FB6];
	_ =	sdelay $0x3  }
0x33: {  	p0 =	seq.s32 s10, $0x1;
	s10 =	sld [smem:$0x3FB8];
	_ =	sdelay $0x3  }
0x34: {  	[smem:$0x3FB8] =	sst s10  }
0x35: {  	s10 =	sld [smem:$0x3FB7];
	_ =	sdelay $0x3  }
0x36: {  	p1 =	seq.s32 s10, $0x1;
	s10 =	sld [smem:$0x3FB8];
	_ =	sdelay $0x3  }
0x37: {  	[smem:$0x3FB8] =	sst s10  }
0x38: {  	s10 =	sld [smem:$0x3FB9]  }
0x39: {  	_ = 	snop;
	(pc) =	sbr.ind lr, $3  }
0x3a: {  	_ = 	snop  }
0x3b: {  	_ = 	snop  }
0x3c: {  	p2 =	seq.s32 s10, $0x1;
	s10 =	sld [smem:$0x3FB8]  }
0x3d: {  	_ =	shalt  }
0x3e: {  	_ =	shalt  }
0x3f: {  	_ =	shalt  }
0x40: {  	_ =	shalt  }
0x41: {  	_ =	shalt  }
0x42: {  	_ =	shalt  }
0x43: {  	_ =	shalt  }
0x44: {  	_ =	shalt  }
0x45: {  	_ =	shalt  }
0x46: {  	_ =	shalt  }
0x47: {  	_ =	shalt  }
0x48: {  	_ =	shalt  }
0x49: {  	_ =	shalt  }
0x4a: {  	_ =	shalt  }
0x4b: {  	_ =	shalt  }
0x4c: {  	_ =	shalt  }
0x4d: {  	_ =	shalt  }
0x4e: {  	_ =	shalt  }
0x4f: {  	_ =	shalt  }
0x50: {  	_ =	shalt  }
0x51: {  	_ =	shalt  }
0x52: {  	_ =	shalt  }
0x53: {  	_ =	shalt  }
0x54: {  	_ =	shalt  }
0x55: {  	_ =	shalt  }
0x56: {  	_ =	shalt  }
0x57: {  	_ =	shalt  }
0x58: {  	_ =	shalt  }
0x59: {  	_ =	shalt  }
0x5a: {  	_ =	shalt  }
0x5b: {  	_ =	shalt  }
0x5c: {  	_ =	shalt  }
0x5d: {  	_ =	shalt  }
0x5e: {  	_ =	shalt  }
0x5f: {  	_ =	shalt  }
0x60: {  	_ =	shalt  }
0x61: {  	_ =	shalt  }
0x62: {  	_ =	shalt  }
0x63: {  	_ =	shalt  }
0x64: {  	_ =	shalt  }
0x65: {  	_ =	shalt  }
0x66: {  	_ =	shalt  }
0x67: {  	_ =	shalt  }
0x68: {  	_ =	shalt  }
0x69: {  	_ =	shalt  }
0x6a: {  	_ =	shalt  }
0x6b: {  	_ =	shalt  }
0x6c: {  	_ =	shalt  }
0x6d: {  	_ =	shalt  }
0x6e: {  	_ =	shalt  }
0x6f: {  	_ =	shalt  }
0x70: {  	_ =	shalt  }
0x71: {  	_ =	shalt  }
0x72: {  	_ =	shalt  }
0x73: {  	_ =	shalt  }
0x74: {  	_ =	shalt  }
0x75: {  	_ =	shalt  }
0x76: {  	_ =	shalt  }
0x77: {  	_ =	shalt  }
0x78: {  	_ =	shalt  }
0x79: {  	_ =	shalt  }
0x7a: {  	_ =	shalt  }
0x7b: {  	_ =	shalt  }
0x7c: {  	_ =	shalt  }
0x7d: {  	_ =	shalt  }
0x7e: {  	_ =	shalt  }
0x7f: {  	_ =	shalt  }
0x80: {  	_ =	shalt  }
0x81: {  	_ =	shalt  }
0x82: {  	_ =	shalt  }
0x83: {  	_ =	shalt  }
0x84: {  	_ =	shalt  }
0x85: {  	_ =	shalt  }
0x86: {  	_ =	shalt  }
0x87: {  	_ =	shalt  }
.Lfunc_end0:
.L_simem_size_0:
called_computation.3_lowered:
.L_overlay_start_0:
0x88: {  	s2 =	sld [smem:$0x3FD9]  }
0x89: {  	s3 =	sld [smem:$0x3FFE];
	_ =	sdelay $0x1  }
0x8a: {  	s1 =	srdreg.scid  }
0x8b: {  	s0 =	sand.u32 $0x1, s1  }
0x8c: {  	s15 =	sshll.u32 s0, $0xA;
	s2 =	sadd.s32 s3, s2  }
0x8d: {  	s2 =	sadd.s32 s2, s15  }
0x8e: {  	[smem:$0x3FC4] =	sst s2  }
0x8f: {  	_ = 	snop  }
0x90: {  	s2 =	sld [smem:$0x3FD0];
	_ =	sdelay $0x2  }
0x91: {  	s16 =	simm.s32 $0xB;
	s4 =	simm.s32 $0x10  }
0x92: {  	[smem:s4], [sflag:s16] =	dma.local [hbm:s2], $0x1  }
0x93: {  	_ =	swait.eq [sflag:s16], $0x1  }
0x94: {  	[sflag:s16] =	ssyncset.done $0x0  }
0x95: {  	[sflag:s16] =	ssyncadd.s32 $0xFFFFFFFF  }
0x96: {  	s17 =	sld [smem:$0x11];
	(tm) =	ssettm $0x1  }
0x97: {  	s18 =	sld [smem:$0x3FFB];
	_ =	sdelay $0x3  }
0x98: {  	_ =	strace s18  }
0x99: {  	s2 =	sld [smem:$0x3FFC];
	_ =	sdelay $0x3  }
0x9a: {  	_ =	strace s2  }
0x9b: {  	s2 =	sld [smem:$0x3FFD];
	_ =	sdelay $0x3  }
0x9c: {  	_ =	strace s2  }
0x9d: {  	_ =	strace $0x8FFFFFFF  }
0x9e: {  	s19 =	sld [smem:$0x3FDB];
	_ =	sdelay $0x1  }
0x9f: {  	s20 =	simm.s32 $_scs_section_size  }
0xa0: {  	s5 =	simm.s32 $_size__tile_overlayer_lowered;
	s6 =	simm.s32 $_tile_overlayer_lowered  }
0xa1: {  	s7 =	simm.s32 $0x1BFF;
	s21 =	sshll.u32 s6, $0x1;
	s4 =	sadd.s32 s20, s19  }
0xa2: {  	s22 =	simm.s32 $0x0;
	s5 =	sshll.u32 s5, $0x1;
	s6 =	sadd.s32 s21, s4  }
0xa3: {  	[timem:s22], [sflag:s7] =	dma.local [hbm:s6], s5  }
0xa4: {  	_ =	swait.ge [sflag:s7], s5  }
0xa5: {  	s5 =	ssub.s32 $0x0, s5;
	[sflag:s7] =	ssyncset.done $0x0  }
0xa6: {  	[sflag:s7] =	ssyncadd.s32 s5;
	_ =	sdelay $0x1  }
0xa7: {  	s23 =	simm.s32 $0x1B8B  }
0xa8: {  	_ =	swait.ge [sflag:s23], $0x1  }
0xa9: {  	[sflag:s23] =	ssyncset.done $0x0  }
0xaa: {  	[sflag:s23] =	ssyncadd.s32 $0xFFFFFFFF  }
0xab: {  	s5 =	sld [smem:$0x0]  }
0xac: {  	s6 =	sand.u32 $0xFFFFFFFE, s1  }
0xad: {  	p0 =	sne.s32 s1, s6  }
0xae: {  	s6 =	sshll.u32 @p0 s6, $0xE  }
0xaf: {  	s6 =	sadd.s32 @p0 $0x11B8D, s6;
	s7 =	sshll.u32 @p0 s5, $0x11  }
0xb0: {  	s6 =	sor.u32 @p0 s7, s6  }
0xb1: {  	[sflag:s6] =	ssyncadd.remote.s32 @p0 $0x1;
	_ =	sdelay $0x1  }
0xb2: {  	s6 =	simm.s32 @p0 $0x1B8D  }
0xb3: {  	_ =	swait.eq @p0 [sflag:s6], $0x1  }
0xb4: {  	[sflag:s6] =	ssyncadd.s32 @p0 $0xFFFFFFFF  }
0xb5: {  	s7 =	sshll.u32 @!p0 s1, $0xE  }
0xb6: {  	s7 =	sor.u32 @!p0 $0x4000, s7;
	s6 =	simm.s32 @!p0 $0x1B8D  }
0xb7: {  	s5 =	sshll.u32 @!p0 s5, $0x11;
	s7 =	sadd.s32 @!p0 $0x11B8D, s7;
	_ =	swait.eq @!p0 [sflag:s6], $0x1  }
0xb8: {  	s5 =	sor.u32 @!p0 s5, s7;
	[sflag:s6] =	ssyncadd.s32 @!p0 $0xFFFFFFFF  }
0xb9: {  	s25 =	simm.s32 $0x1B8E;
	s24 =	sld [smem:$0x3FFE];
	[sflag:s5] =	ssyncadd.remote.s32 @!p0 $0x1  }
0xba: {  	s26 =	simm.s32 $execute0_lowered;
	[smem:$0x3FD2] =	sst s25  }
0xbb: {  	s6 =	sshll.u32 s26, $0x1;
	_ =	strace $0x80000049;
	[dreg:$0x1] =	wrdreg $0xFFFFFFFF  }
0xbc: {  	s28 =	simm.s32 $_size_execute0_lowered;
	s4 =	sadd.s32 s4, s6;
	[dreg:$0x0] =	wrdreg $0x0  }
0xbd: {  	s6 =	sshll.u32 s28, $0x1;
	[dreg:$0x2] =	wrdreg s4  }
0xbe: {  	[dreg:$0x3] =	wrdreg s6  }
0xbf: {  	[dreg:$0x4] =	wrdreg $0xC0  }
0xc0: {  	_ =	task [dreg:s22], $0x5FFFF  }
0xc1: {  	[dreg:$0x1] =	wrdreg $0xFFFFFFFF  }
0xc2: {  	[dreg:$0x0] =	wrdreg $0x60  }
0xc3: {  	[dreg:$0x2] =	wrdreg s24  }
0xc4: {  	[dreg:$0x3] =	wrdreg s17  }
0xc5: {  	[dreg:$0x4] =	wrdreg $0xA  }
0xc6: {  	_ =	task.clear_ibuf [dreg:s22], $0x5FFFF;
	_ =	strace $0x90000049  }
0xc7: {  	s29 =	simm.s32 $0xA;
	_ =	strace $0x8000004B  }
0xc8: {  	_ =	swait.ge [sflag:s29], $0x1  }
0xc9: {  	[sflag:s29] =	ssyncadd.s32 $0xFFFFFFFF  }
0xca: {  	_ =	strace $0x9000004B  }
0xcb: {  	_ =	sfence  }
0xcc: {  	s30 =	sld [smem:$0x0];
	_ =	sdelay $0x2  }
0xcd: {  	s31 =	sshll.u32 s1, $0xD;
	s1 =	sshrl.u32 s1, $0x2  }
0xce: {  	s4 =	sand.u32 $0x4000, s31;
	s1 =	sadd.s32 s1, s30  }
0xcf: {  	s0 =	sor.u32 s4, s0;
	s1 =	sshll.u32 s1, $0x11  }
0xd0: {  	s0 =	sor.u32 s1, s0  }
0xd1: {  	s0 =	sadd.s32 $0x8F2B, s0  }
0xd2: {  	[sflag:s0] =	ssyncadd.remote.s32 $0x1  }
0xd3: {  	_ =	sfence.sel $0xFFFF  }
0xd4: {  	[dreg:$0x0] =	wrdreg $0xFFFFFFFF;
	(pc) =	sbr.abs _section_cstart, $3  }
0xd5: {  	[dreg:$0x1] =	wrdreg $0xFFFFFFFF  }
0xd6: {  	_ =	task.clear_ibuf [dreg:s22], $0x2FFFF;
	_ =	strace $0x9FFFFFFF  }
0xd7: {  	(tm) =	ssettm $0x7FFFFFFF  }
tec
execute0_lowered:
.L_overlay_start_1:
0x0: {  	(tag) =	ssettag $0x1  }
0x1: {  	s0 =	srdreg.scid;
	s1 =	rddreg [dreg:$0x0]  }
0x2: {  	s9 =	stileid.u32;
	s8 =	rddreg [dreg:$0x1];
	s10 =	simm.s32 $0x32  }
0x3: {  	s11 =	simm.s32 $0x1C00;
	s13 =	simm.s32 $0x2880;
	s15 =	simm.s32 $0x3500  }
0x4: {  	s17 =	simm.s32 $0x4180;
	s19 =	simm.s32 $0x4E00;
	s21 =	simm.s32 $0x5A80  }
0x5: {  	s23 =	simm.s32 $0x6700;
	s28 =	simm.s32 $0x8000;
	s29 =	simm.s32 $0x8C80  }
0x6: {  	s30 =	simm.s32 $0x9900;
	s31 =	simm.s32 $0xA580;
	s12 =	simm.s32 $0xCB00  }
0x7: {  	s14 =	simm.s32 $0xD780;
	s22 =	simm.s32 $0x0;
	s0 =	sand.u32 $0x1, s0  }
0x8: {  	s2 =	sshll.u32 s9, $0x8;
	s9 =	smul.u32 $0x19000, s9;
	s3 =	sshll.u32 s0, $0x7  }
0x9: {  	s6 =	ssub.s32 $0x2, s0;
	s0 =	smul.u32 $0xC800, s0;
	s4 =	sor.u32 s3, s2  }
0xa: {  	s2 =	simm.s32 $0x0;
	s24 =	sshrl.u32 s6, $0x1;
	s26 =	sadd.s32 s9, s8  }
0xb: {  	s9 =	simm.s32 $0x2;
	s3 =	smul.u32 $0x7, s4;
	[smem:$0x7FF] =	sst s2  }
0xc: {  	s7 =	smul.u32 $0x190, s4;
	s16 =	sadd.s32 s0, s26;
	s26 =	simm.s32 $0x1  }
0xd: {  	s0 =	simm.s32 $0xBE80;
	_ =	strace $0x8000004A;
	s5 =	sadd.s32 s3, s1  }
0xe: {  	s3 =	sadd.s32 $0xD4400, s1;
	s1 =	ssub.s32 s6, s24;
	s25 =	sadd.s32 s8, s7  }
0xf: {  	s4 =	sadd.s32 $0xCD400, s5;
	s5 =	smax.u32 s1, $0x1;
	s6 =	sadd.s32 $0xAF00, s25  }
0x10: {  	s7 =	sadd.s32 $0xBB80, s25;
	s25 =	simm.s32 $0x7380;
	s1 =	simm.s32 $0xB200  }
.LBB2_1:
0x11: {  	[tilespmem:s2], [sflag:$0x2] =	stream.linear.gather [hbm4b:s4+s2], $0x1C00, $0x38;
	[tilespmem:$0xE400] =	vst v63  }
0x12: {  	_ =	swait.ge [sflag:s9], $0x1C00  }
0x13: {  	[sflag:s9] =	ssyncset.done $0x0  }
0x14: {  	[sflag:s9] =	ssyncadd.s32 $0xFFFFE400  }
0x15: {  	[tilespmem:s11], [sflag:$0x1] =	stream.indirect.gather [hbm4b:s3+s10], $0x40, s2, s10, $0xb8;
	[tilespmem:$0xE400] =	vst v63  }
0x16: {  	s8 =	simm.s32 $0x38  }
0x17: {  	[tilespmem:s13], [sflag:$0x1] =	stream.indirect.gather [hbm4b:s3+s10], $0x40, s8, s10, $0xb8;
	[tilespmem:$0xE400] =	vst v63  }
0x18: {  	s20 =	simm.s32 $0x70  }
0x19: {  	[tilespmem:s15], [sflag:$0x1] =	stream.indirect.gather [hbm4b:s3+s10], $0x40, s20, s10, $0xb8;
	[tilespmem:$0xE400] =	vst v63  }
0x1a: {  	s24 =	simm.s32 $0xA8  }
0x1b: {  	[tilespmem:s17], [sflag:$0x1] =	stream.indirect.gather [hbm4b:s3+s10], $0x40, s24, s10, $0xb8;
	[tilespmem:$0xE400] =	vst v63  }
0x1c: {  	s18 =	simm.s32 $0xE0  }
0x1d: {  	[tilespmem:s19], [sflag:$0x1] =	stream.indirect.gather [hbm4b:s3+s10], $0x40, s18, s10, $0xb8;
	[tilespmem:$0xE400] =	vst v63  }
0x1e: {  	s20 =	simm.s32 $0x118  }
0x1f: {  	[tilespmem:s21], [sflag:$0x1] =	stream.indirect.gather [hbm4b:s3+s10], $0x40, s20, s10, $0xb8;
	[tilespmem:$0xE400] =	vst v63  }
0x20: {  	s24 =	simm.s32 $0x150  }
0x21: {  	[tilespmem:s23], [sflag:$0x1] =	stream.indirect.gather [hbm4b:s3+s10], $0x40, s24, s10, $0xb8;
	[tilespmem:$0xE400] =	vst v63  }
0x22: {  	s18 =	simm.s32 $0x188  }
0x23: {  	[tilespmem:s25], [sflag:$0x1] =	stream.indirect.gather [hbm4b:s3+s10], $0x40, s18, s10, $0xb8;
	[tilespmem:$0xE400] =	vst v63  }
0x24: {  	_ =	swait.ge [sflag:s26], $0x6400  }
0x25: {  	[sflag:s26] =	ssyncset.done $0x0  }
0x26: {  	s20 =	simm.s32 $0x1C0;
	[sflag:s26] =	ssyncadd.s32 $0xFFFF9C00  }
0x27: {  	[tilespmem:s28], [sflag:$0x1] =	stream.indirect.gather [hbm4b:s3+s10], $0x40, s20, s10, $0xb8;
	[tilespmem:$0xE400] =	vst v63  }
0x28: {  	s24 =	simm.s32 $0x1F8  }
0x29: {  	[tilespmem:s29], [sflag:$0x1] =	stream.indirect.gather [hbm4b:s3+s10], $0x40, s24, s10, $0xb8;
	[tilespmem:$0xE400] =	vst v63  }
0x2a: {  	s18 =	simm.s32 $0x230  }
0x2b: {  	[tilespmem:s30], [sflag:$0x1] =	stream.indirect.gather [hbm4b:s3+s10], $0x40, s18, s10, $0xb8;
	[tilespmem:$0xE400] =	vst v63  }
0x2c: {  	s20 =	simm.s32 $0x268  }
0x2d: {  	[tilespmem:s31], [sflag:$0x1] =	stream.indirect.gather [hbm4b:s3+s10], $0x40, s20, s10, $0xb8;
	[tilespmem:$0xE400] =	vst v63  }
0x2e: {  	s24 =	simm.s32 $0x2A0  }
0x2f: {  	[tilespmem:s1], [sflag:$0x1] =	stream.indirect.gather [hbm4b:s3+s10], $0x40, s24, s10, $0xb8;
	[tilespmem:$0xE400] =	vst v63  }
0x30: {  	s18 =	simm.s32 $0x2D8  }
0x31: {  	[tilespmem:s0], [sflag:$0x1] =	stream.indirect.gather [hbm4b:s3+s10], $0x40, s18, s10, $0xb8;
	[tilespmem:$0xE400] =	vst v63  }
0x32: {  	s20 =	simm.s32 $0x310  }
0x33: {  	[tilespmem:s12], [sflag:$0x1] =	stream.indirect.gather [hbm4b:s3+s10], $0x40, s20, s10, $0xb8;
	[tilespmem:$0xE400] =	vst v63  }
0x34: {  	s24 =	simm.s32 $0x348  }
0x35: {  	[tilespmem:s14], [sflag:$0x1] =	stream.indirect.gather [hbm4b:s3+s10], $0x40, s24, s10, $0xb8;
	[tilespmem:$0xE400] =	vst v63  }
0x36: {  	_ = 	snop  }
0x37: {  	[hbm4b:s16+s2] =	stream.linear.scatter [tilespmem:s11], [sflag:$0x2], $0x6400, $0x38;
	[tilespmem:$0xE400] =	vst v63  }
0x38: {  	_ =	swait.ge [sflag:s9], $0x6400  }
0x39: {  	[sflag:s9] =	ssyncset.done $0x0  }
0x3a: {  	[sflag:s9] =	ssyncadd.s32 $0xFFFF9C00  }
0x3b: {  	_ =	swait.ge [sflag:s26], $0x6400  }
0x3c: {  	[sflag:s26] =	ssyncset.done $0x0  }
0x3d: {  	s18 =	simm.s32 $0x380;
	[sflag:s26] =	ssyncadd.s32 $0xFFFF9C00  }
0x3e: {  	[tilespmem:s11], [sflag:$0x1] =	stream.indirect.gather [hbm4b:s3+s10], $0x40, s18, s10, $0xb8;
	[tilespmem:$0xE400] =	vst v63  }
0x3f: {  	s20 =	simm.s32 $0x3B8  }
0x40: {  	[tilespmem:s13], [sflag:$0x1] =	stream.indirect.gather [hbm4b:s3+s10], $0x40, s20, s10, $0xb8;
	[tilespmem:$0xE400] =	vst v63  }
0x41: {  	s24 =	simm.s32 $0x3F0  }
0x42: {  	[tilespmem:s15], [sflag:$0x1] =	stream.indirect.gather [hbm4b:s3+s10], $0x40, s24, s10, $0xb8;
	[tilespmem:$0xE400] =	vst v63  }
0x43: {  	s18 =	simm.s32 $0x428  }
0x44: {  	[tilespmem:s17], [sflag:$0x1] =	stream.indirect.gather [hbm4b:s3+s10], $0x40, s18, s10, $0xb8;
	[tilespmem:$0xE400] =	vst v63  }
0x45: {  	s20 =	simm.s32 $0x460  }
0x46: {  	[tilespmem:s19], [sflag:$0x1] =	stream.indirect.gather [hbm4b:s3+s10], $0x40, s20, s10, $0xb8;
	[tilespmem:$0xE400] =	vst v63  }
0x47: {  	s24 =	simm.s32 $0x498  }
0x48: {  	[tilespmem:s21], [sflag:$0x1] =	stream.indirect.gather [hbm4b:s3+s10], $0x40, s24, s10, $0xb8;
	[tilespmem:$0xE400] =	vst v63  }
0x49: {  	s18 =	simm.s32 $0x4D0  }
0x4a: {  	[tilespmem:s23], [sflag:$0x1] =	stream.indirect.gather [hbm4b:s3+s10], $0x40, s18, s10, $0xb8;
	[tilespmem:$0xE400] =	vst v63  }
0x4b: {  	s20 =	simm.s32 $0x508  }
0x4c: {  	[tilespmem:s25], [sflag:$0x1] =	stream.indirect.gather [hbm4b:s3+s10], $0x40, s20, s10, $0xb8;
	[tilespmem:$0xE400] =	vst v63  }
0x4d: {  	s24 =	sadd.s32 $0xC80, s16  }
0x4e: {  	[hbm4b:s24+s2] =	stream.linear.scatter [tilespmem:s28], [sflag:$0x2], $0x6400, $0x38;
	[tilespmem:$0xE400] =	vst v63  }
0x4f: {  	_ =	swait.ge [sflag:s9], $0x6400  }
0x50: {  	s8 =	smov.u32 s16;
	s24 =	simm.s32 $0xE00;
	[sflag:s9] =	ssyncset.done $0x0  }
.LBB2_2:
0x51: {  	p0 =	sne.s32 s24, $0x5400;
	[sflag:s9] =	ssyncadd.s32 $0xFFFF9C00;
	s8 =	sadd.s32 $0x1900, s8  }
0x52: {  	s18 =	smov.u32 s24;
	s24 =	sadd.s32 $0xE00, s24  }
0x53: {  	_ =	swait.ge [sflag:s26], $0x6400  }
0x54: {  	s18 =	sshra.s32 s18, $0x2;
	[sflag:s26] =	ssyncset.done $0x0  }
0x55: {  	s20 =	sadd.s32 $0x1C0, s18;
	[sflag:s26] =	ssyncadd.s32 $0xFFFF9C00  }
0x56: {  	[tilespmem:s28], [sflag:$0x1] =	stream.indirect.gather [hbm4b:s3+s10], $0x40, s20, s10, $0xb8;
	[tilespmem:$0xE400] =	vst v63  }
0x57: {  	s20 =	sadd.s32 $0x1F8, s18  }
0x58: {  	[tilespmem:s29], [sflag:$0x1] =	stream.indirect.gather [hbm4b:s3+s10], $0x40, s20, s10, $0xb8;
	[tilespmem:$0xE400] =	vst v63  }
0x59: {  	s20 =	sadd.s32 $0x230, s18  }
0x5a: {  	[tilespmem:s30], [sflag:$0x1] =	stream.indirect.gather [hbm4b:s3+s10], $0x40, s20, s10, $0xb8;
	[tilespmem:$0xE400] =	vst v63  }
0x5b: {  	s20 =	sadd.s32 $0x268, s18  }
0x5c: {  	[tilespmem:s31], [sflag:$0x1] =	stream.indirect.gather [hbm4b:s3+s10], $0x40, s20, s10, $0xb8;
	[tilespmem:$0xE400] =	vst v63  }
0x5d: {  	s20 =	sadd.s32 $0x2A0, s18  }
0x5e: {  	[tilespmem:s1], [sflag:$0x1] =	stream.indirect.gather [hbm4b:s3+s10], $0x40, s20, s10, $0xb8;
	[tilespmem:$0xE400] =	vst v63  }
0x5f: {  	s20 =	sadd.s32 $0x2D8, s18  }
0x60: {  	[tilespmem:s0], [sflag:$0x1] =	stream.indirect.gather [hbm4b:s3+s10], $0x40, s20, s10, $0xb8;
	[tilespmem:$0xE400] =	vst v63  }
0x61: {  	s20 =	sadd.s32 $0x310, s18  }
0x62: {  	[tilespmem:s12], [sflag:$0x1] =	stream.indirect.gather [hbm4b:s3+s10], $0x40, s20, s10, $0xb8;
	[tilespmem:$0xE400] =	vst v63  }
0x63: {  	s20 =	sadd.s32 $0x348, s18  }
0x64: {  	[tilespmem:s14], [sflag:$0x1] =	stream.indirect.gather [hbm4b:s3+s10], $0x40, s20, s10, $0xb8;
	[tilespmem:$0xE400] =	vst v63  }
0x65: {  	_ = 	snop  }
0x66: {  	[hbm4b:s8+s2] =	stream.linear.scatter [tilespmem:s11], [sflag:$0x2], $0x6400, $0x38;
	[tilespmem:$0xE400] =	vst v63  }
0x67: {  	_ =	swait.ge [sflag:s9], $0x6400  }
0x68: {  	[sflag:s9] =	ssyncset.done $0x0  }
0x69: {  	[sflag:s9] =	ssyncadd.s32 $0xFFFF9C00  }
0x6a: {  	_ =	swait.ge [sflag:s26], $0x6400  }
0x6b: {  	[sflag:s26] =	ssyncset.done $0x0  }
0x6c: {  	s20 =	sadd.s32 $0x380, s18;
	[sflag:s26] =	ssyncadd.s32 $0xFFFF9C00  }
0x6d: {  	[tilespmem:s11], [sflag:$0x1] =	stream.indirect.gather [hbm4b:s3+s10], $0x40, s20, s10, $0xb8;
	[tilespmem:$0xE400] =	vst v63  }
0x6e: {  	s20 =	sadd.s32 $0x3B8, s18  }
0x6f: {  	[tilespmem:s13], [sflag:$0x1] =	stream.indirect.gather [hbm4b:s3+s10], $0x40, s20, s10, $0xb8;
	[tilespmem:$0xE400] =	vst v63  }
0x70: {  	s20 =	sadd.s32 $0x3F0, s18  }
0x71: {  	[tilespmem:s15], [sflag:$0x1] =	stream.indirect.gather [hbm4b:s3+s10], $0x40, s20, s10, $0xb8;
	[tilespmem:$0xE400] =	vst v63  }
0x72: {  	s20 =	sadd.s32 $0x428, s18  }
0x73: {  	[tilespmem:s17], [sflag:$0x1] =	stream.indirect.gather [hbm4b:s3+s10], $0x40, s20, s10, $0xb8;
	[tilespmem:$0xE400] =	vst v63  }
0x74: {  	s20 =	sadd.s32 $0x460, s18  }
0x75: {  	[tilespmem:s19], [sflag:$0x1] =	stream.indirect.gather [hbm4b:s3+s10], $0x40, s20, s10, $0xb8;
	[tilespmem:$0xE400] =	vst v63  }
0x76: {  	s20 =	sadd.s32 $0x498, s18  }
0x77: {  	[tilespmem:s21], [sflag:$0x1] =	stream.indirect.gather [hbm4b:s3+s10], $0x40, s20, s10, $0xb8;
	[tilespmem:$0xE400] =	vst v63  }
0x78: {  	s20 =	sadd.s32 $0x4D0, s18  }
0x79: {  	[tilespmem:s23], [sflag:$0x1] =	stream.indirect.gather [hbm4b:s3+s10], $0x40, s20, s10, $0xb8;
	[tilespmem:$0xE400] =	vst v63  }
0x7a: {  	s18 =	sadd.s32 $0x508, s18  }
0x7b: {  	[tilespmem:s25], [sflag:$0x1] =	stream.indirect.gather [hbm4b:s3+s10], $0x40, s18, s10, $0xb8;
	[tilespmem:$0xE400] =	vst v63  }
.Ltmp0:
0x7c: {  	_ = 	snop;
	(pc) =	sbr.rel @p0 .LBB2_2-.Ltmp0, $4  }
0x7d: {  	s18 =	sadd.s32 $0xC80, s8  }
0x7e: {  	[hbm4b:s18+s2] =	stream.linear.scatter [tilespmem:s28], [sflag:$0x2], $0x6400, $0x38;
	[tilespmem:$0xE400] =	vst v63  }
0x7f: {  	_ =	swait.ge [sflag:s9], $0x6400  }
0x80: {  	[sflag:s9] =	ssyncset.done $0x0  }
0x81: {  	[sflag:s9] =	ssyncadd.s32 $0xFFFF9C00  }
0x82: {  	_ =	swait.ge [sflag:s26], $0x6400  }
0x83: {  	[sflag:s26] =	ssyncset.done $0x0  }
0x84: {  	s8 =	simm.s32 $0x1A40;
	[sflag:s26] =	ssyncadd.s32 $0xFFFF9C00  }
0x85: {  	[tilespmem:s28], [sflag:$0x1] =	stream.indirect.gather [hbm4b:s3+s10], $0x40, s8, s10, $0xb8;
	[tilespmem:$0xE400] =	vst v63  }
0x86: {  	s24 =	simm.s32 $0x1A78  }
0x87: {  	[tilespmem:s29], [sflag:$0x1] =	stream.indirect.gather [hbm4b:s3+s10], $0x40, s24, s10, $0xb8;
	[tilespmem:$0xE400] =	vst v63  }
0x88: {  	s18 =	simm.s32 $0x1AB0  }
0x89: {  	[tilespmem:s30], [sflag:$0x1] =	stream.indirect.gather [hbm4b:s3+s10], $0x40, s18, s10, $0xb8;
	[tilespmem:$0xE400] =	vst v63  }
0x8a: {  	s20 =	simm.s32 $0x1AE8  }
0x8b: {  	[tilespmem:s31], [sflag:$0x1] =	stream.indirect.gather [hbm4b:s3+s10], $0x40, s20, s10, $0xb8;
	[tilespmem:$0xE400] =	vst v63  }
0x8c: {  	s24 =	simm.s32 $0x1B20  }
0x8d: {  	[tilespmem:s1], [sflag:$0x1] =	stream.indirect.gather [hbm4b:s3+s10], $0x40, s24, s10, $0xb8;
	[tilespmem:$0xE400] =	vst v63  }
0x8e: {  	s18 =	simm.s32 $0x1B58  }
0x8f: {  	[tilespmem:s0], [sflag:$0x1] =	stream.indirect.gather [hbm4b:s3+s10], $0x40, s18, s10, $0xb8;
	[tilespmem:$0xE400] =	vst v63  }
0x90: {  	s20 =	simm.s32 $0x1B90  }
0x91: {  	[tilespmem:s12], [sflag:$0x1] =	stream.indirect.gather [hbm4b:s3+s10], $0x40, s20, s10, $0xb8;
	[tilespmem:$0xE400] =	vst v63  }
0x92: {  	s24 =	simm.s32 $0x1BC8  }
0x93: {  	[tilespmem:s14], [sflag:$0x1] =	stream.indirect.gather [hbm4b:s3+s10], $0x40, s24, s10, $0xb8;
	[tilespmem:$0xE400] =	vst v63  }
0x94: {  	_ = 	snop  }
0x95: {  	[hbm4b:s6+s2] =	stream.linear.scatter [tilespmem:s11], [sflag:$0x2], $0x6400, $0x38;
	[tilespmem:$0xE400] =	vst v63  }
0x96: {  	_ =	swait.ge [sflag:s9], $0x6400  }
0x97: {  	[sflag:s9] =	ssyncset.done $0x0  }
0x98: {  	[sflag:s9] =	ssyncadd.s32 $0xFFFF9C00  }
0x99: {  	s22 =	sadd.s32 $0x1, s22;
	_ =	swait.ge [sflag:s26], $0x6400  }
0x9a: {  	p0 =	sne.s32 s22, s5;
	[sflag:s26] =	ssyncset.done $0x0  }
.Ltmp1:
0x9b: {  	[sflag:s26] =	ssyncadd.s32 $0xFFFF9C00;
	(pc) =	sbr.rel @p0 .LBB2_1-.Ltmp1, $4  }
0x9c: {  	[hbm4b:s7+s2] =	stream.linear.scatter [tilespmem:s28], [sflag:$0x2], $0x6400, $0x38;
	[tilespmem:$0xE400] =	vst v63  }
0x9d: {  	_ =	swait.ge [sflag:s9], $0x6400  }
0x9e: {  	[sflag:s9] =	ssyncset.done $0x0  }
0x9f: {  	[sflag:s9] =	ssyncadd.s32 $0xFFFF9C00  }
0xa0: {  	_ =	sfence.sel $0x180000  }
0xa1: {  	[bflag:$0x0] =	sbarrier.arrive $0xFFFF  }
0xa2: {  	_ =	strace $0x9000004A  }
0xa3: {  	s0 =	stileid.u32;
	[bflag:$0x2] =	sbarrier.arrive $0xFFFF  }
0xa4: {  	p0 =	sne.s32 s0, $0x0;
	s0 =	rddreg [dreg:$0x2]  }
0xa5: {  	s0 =	sadd.s32 @!p0 $0x100000, s0  }
0xa6: {  	[sflag:s0] =	ssyncadd.tile.s32 @!p0 $0x1;
	_ =	shalt  }
.Lfunc_end2:
_tile_overlayer_lowered:
.L_overlay_start_2:
0xa7: {  	(tag) =	ssettag $0x2  }
0xa8: {  	s0 =	rddreg [dreg:$0x0];
	s2 =	stileid.u32  }
0xa9: {  	s1 =	rddreg [dreg:$0x1];
	p0 =	sne.s32 s2, $0x0  }
0xaa: {  	s3 =	rddreg [dreg:$0x2];
	[bflag:$0x3] =	sbarrier.arrive $0xFFFF;
	s2 =	simm.s32 @!p0 $0x1C02  }
0xab: {  	[timem:s3], [sflag:s2] =	dma.local @!p0 [hbm:s0], s1  }
0xac: {  	s0 =	simm.s32 @!p0 $0x2  }
0xad: {  	_ =	swait.ge @!p0 [sflag:s0], s1  }
0xae: {  	s1 =	ssub.s32 @!p0 $0x0, s1;
	[sflag:s0] =	ssyncset.done @!p0 $0x0  }
0xaf: {  	[sflag:s0] =	ssyncadd.s32 @!p0 s1  }
0xb0: {  	[bflag:$0x3] =	sbarrier.arrive $0xFFFF  }
0xb1: {  	_ =	shalt  }

// kernel: sparse-core-data-format-call.1.cloned.1.call-start
scs
called_computation.1_lowered:
.L_overlay_start_0:
0x0: {  	s2 =	sld [smem:$0x3FD9]  }
0x1: {  	s3 =	sld [smem:$0x3FFE];
	_ =	sdelay $0x1  }
0x2: {  	s1 =	srdreg.scid  }
0x3: {  	s0 =	sand.u32 $0x1, s1  }
0x4: {  	s16 =	sshll.u32 s0, $0xA;
	s2 =	sadd.s32 s3, s2  }
0x5: {  	s2 =	sadd.s32 s2, s16  }
0x6: {  	[smem:$0x3FC4] =	sst s2  }
0x7: {  	_ = 	snop  }
0x8: {  	s2 =	sld [smem:$0x3FD0];
	_ =	sdelay $0x2  }
0x9: {  	s17 =	simm.s32 $0xB;
	s4 =	simm.s32 $0x10  }
0xa: {  	[smem:s4], [sflag:s17] =	dma.local [hbm:s2], $0x1  }
0xb: {  	_ =	swait.eq [sflag:s17], $0x1  }
0xc: {  	[sflag:s17] =	ssyncset.done $0x0  }
0xd: {  	[sflag:s17] =	ssyncadd.s32 $0xFFFFFFFF  }
0xe: {  	s18 =	sld [smem:$0x10];
	(tm) =	ssettm $0x1  }
0xf: {  	s19 =	sld [smem:$0x3FFB];
	_ =	sdelay $0x3  }
0x10: {  	_ =	strace s19  }
0x11: {  	s2 =	sld [smem:$0x3FFC];
	_ =	sdelay $0x3  }
0x12: {  	_ =	strace s2  }
0x13: {  	s2 =	sld [smem:$0x3FFD];
	_ =	sdelay $0x3  }
0x14: {  	_ =	strace s2  }
0x15: {  	_ =	strace $0x8FFFFFFF  }
0x16: {  	s20 =	sld [smem:$0x3FDB];
	_ =	sdelay $0x1  }
0x17: {  	s21 =	simm.s32 $_scs_section_size  }
0x18: {  	s5 =	simm.s32 $_size__tile_overlayer_lowered;
	s6 =	simm.s32 $_tile_overlayer_lowered  }
0x19: {  	s7 =	simm.s32 $0x1BFF;
	s22 =	sshll.u32 s6, $0x1;
	s4 =	sadd.s32 s21, s20  }
0x1a: {  	s23 =	simm.s32 $0x0;
	s5 =	sshll.u32 s5, $0x1;
	s6 =	sadd.s32 s22, s4  }
0x1b: {  	[timem:s23], [sflag:s7] =	dma.local [hbm:s6], s5  }
0x1c: {  	_ =	swait.ge [sflag:s7], s5  }
0x1d: {  	s5 =	ssub.s32 $0x0, s5;
	[sflag:s7] =	ssyncset.done $0x0  }
0x1e: {  	[sflag:s7] =	ssyncadd.s32 s5;
	_ =	sdelay $0x1  }
0x1f: {  	s24 =	simm.s32 $0x1B8B  }
0x20: {  	_ =	swait.ge [sflag:s24], $0x1  }
0x21: {  	[sflag:s24] =	ssyncset.done $0x0  }
0x22: {  	[sflag:s24] =	ssyncadd.s32 $0xFFFFFFFF  }
0x23: {  	s5 =	sld [smem:$0x0]  }
0x24: {  	s6 =	sand.u32 $0xFFFFFFFE, s1  }
0x25: {  	p0 =	sne.s32 s1, s6  }
0x26: {  	s6 =	sshll.u32 @p0 s6, $0xE  }
0x27: {  	s6 =	sadd.s32 @p0 $0x11B8D, s6;
	s7 =	sshll.u32 @p0 s5, $0x11  }
0x28: {  	s6 =	sor.u32 @p0 s7, s6  }
0x29: {  	[sflag:s6] =	ssyncadd.remote.s32 @p0 $0x1;
	_ =	sdelay $0x1  }
0x2a: {  	s6 =	simm.s32 @p0 $0x1B8D  }
0x2b: {  	_ =	swait.eq @p0 [sflag:s6], $0x1  }
0x2c: {  	[sflag:s6] =	ssyncadd.s32 @p0 $0xFFFFFFFF  }
0x2d: {  	s7 =	sshll.u32 @!p0 s1, $0xE  }
0x2e: {  	s7 =	sor.u32 @!p0 $0x4000, s7;
	s6 =	simm.s32 @!p0 $0x1B8D  }
0x2f: {  	s5 =	sshll.u32 @!p0 s5, $0x11;
	s7 =	sadd.s32 @!p0 $0x11B8D, s7;
	_ =	swait.eq @!p0 [sflag:s6], $0x1  }
0x30: {  	s5 =	sor.u32 @!p0 s5, s7;
	[sflag:s6] =	ssyncadd.s32 @!p0 $0xFFFFFFFF  }
0x31: {  	s26 =	simm.s32 $0x1B8E;
	s25 =	sld [smem:$0x3FFE];
	[sflag:s5] =	ssyncadd.remote.s32 @!p0 $0x1  }
0x32: {  	s27 =	simm.s32 $execute0_lowered;
	[smem:$0x3FD2] =	sst s26  }
0x33: {  	s6 =	sshll.u32 s27, $0x1;
	_ =	strace $0x8000004C;
	[dreg:$0x1] =	wrdreg $0xFFFFFFFF  }
0x34: {  	s28 =	simm.s32 $_size_execute0_lowered;
	s4 =	sadd.s32 s4, s6;
	[dreg:$0x0] =	wrdreg $0x0  }
0x35: {  	s6 =	sshll.u32 s28, $0x1;
	[dreg:$0x2] =	wrdreg s4  }
0x36: {  	[dreg:$0x3] =	wrdreg s6  }
0x37: {  	[dreg:$0x4] =	wrdreg $0xC0  }
0x38: {  	_ =	task [dreg:s23], $0x5FFFF  }
0x39: {  	[dreg:$0x1] =	wrdreg $0xFFFFFFFF  }
0x3a: {  	[dreg:$0x0] =	wrdreg $0x60  }
0x3b: {  	[dreg:$0x2] =	wrdreg s25  }
0x3c: {  	[dreg:$0x3] =	wrdreg s18  }
0x3d: {  	[dreg:$0x4] =	wrdreg $0x9  }
0x3e: {  	_ =	task.clear_ibuf [dreg:s23], $0x5FFFF;
	_ =	strace $0x9000004C  }
0x3f: {  	s29 =	simm.s32 $0x9;
	_ =	strace $0x8000004E  }
0x40: {  	_ =	swait.ge [sflag:s29], $0x1  }
0x41: {  	[sflag:s29] =	ssyncadd.s32 $0xFFFFFFFF  }
0x42: {  	_ =	strace $0x9000004E  }
0x43: {  	_ =	sfence  }
0x44: {  	s30 =	sld [smem:$0x0];
	_ =	sdelay $0x2  }
0x45: {  	s31 =	sshll.u32 s1, $0xD;
	s1 =	sshrl.u32 s1, $0x2  }
0x46: {  	s4 =	sand.u32 $0x4000, s31;
	s1 =	sadd.s32 s1, s30  }
0x47: {  	s0 =	sor.u32 s4, s0;
	s1 =	sshll.u32 s1, $0x11  }
0x48: {  	s0 =	sor.u32 s1, s0  }
0x49: {  	s0 =	sadd.s32 $0x8F2B, s0  }
0x4a: {  	[sflag:s0] =	ssyncadd.remote.s32 $0x1  }
0x4b: {  	_ =	sfence.sel $0xFFFF  }
0x4c: {  	[dreg:$0x0] =	wrdreg $0xFFFFFFFF;
	(pc) =	sbr.abs _section_cstart, $3  }
0x4d: {  	[dreg:$0x1] =	wrdreg $0xFFFFFFFF  }
0x4e: {  	_ =	task.clear_ibuf [dreg:s23], $0x2FFFF;
	_ =	strace $0x9FFFFFFF  }
0x4f: {  	(tm) =	ssettm $0x7FFFFFFF  }
tec
execute0_lowered:
.L_overlay_start_1:
0x0: {  	(tag) =	ssettag $0x1  }
0x1: {  	s0 =	srdreg.scid  }
0x2: {  	s1 =	sshll.u32 s0, $0x4  }
0x3: {  	s0 =	stileid.u32;
	s1 =	sand.u32 $0x10, s1  }
0x4: {  	s1 =	sor.u32 s0, s1  }
0x5: {  	s6 =	rddreg [dreg:$0x0];
	s4 =	simm.s32 $0x1;
	s2 =	sshll.u32 s1, $0x7  }
0x6: {  	s7 =	simm.s32 $0x2;
	s12 =	simm.s32 $0x0;
	s1 =	ssub.s32 $0x1000, s2  }
0x7: {  	s8 =	simm.s32 $0x8000;
	s13 =	simm.s32 $0x0;
	s3 =	sand.u32 $0xF80, s1  }
0x8: {  	s9 =	simm.s32 $0x0;
	s5 =	sshrl.u32 s1, $0xC;
	p0 =	sne.s32 s3, $0x0  }
.Ltmp0:
0x9: {  	s1 =	rddreg [dreg:$0x2];
	s4 =	simm.s32 @!p0 $0x0;
	(pc) =	sbr.rel .LBB1_1-.Ltmp0, $4  }
0xa: {  	s11 =	simm.s32 $0x0;
	s3 =	rddreg [dreg:$0x1];
	s5 =	sadd.s32 s4, s5  }
0xb: {  	_ =	strace $0x8000004D;
	s4 =	simm.s32 $0x1;
	s5 =	smul.u32 $0x32, s5  }
0xc: {  	s6 =	sadd.s32 $0x197A00, s6;
	s10 =	smov.u32 s2;
	[sflag:s4] =	ssyncpa.u1 $0x0  }
0xd: {  	p0 =	por $0x0, $0x0;
	[sflag:s7] =	ssyncpa.u1 $0x0;
	s7 =	sor.u32 $0x1, s5  }
.LBB1_4:
0xe: {  	s16 =	sshll.u32 s13, $0x3;
	s17 =	sand.u32 $0x78, s13  }
0xf: {  	s30 =	sand.u32 $0x7E00, s13;
	s12 =	sshll.u32 s12, $0xF;
	s16 =	sand.u32 $0xC00, s16  }
0x10: {  	[tilespmem:s15+$0x810 ss:$0x81] =	vst.msk $0xffff, v2;
	s31 =	sand.u32 $0x7, s13;
	s16 =	sor.u32 s17, s16;
	s17 =	sadd.s32 s3, s30  }
0x11: {  	[tilespmem:s15+$0x1020 ss:$0x81] =	vst.msk $0xffff, v0;
	s13 =	sshll.u32 s31, $0x12;
	s12 =	sadd.s32 s12, s17;
	s16 =	sshrl.u32 s16, $0x3  }
0x12: {  	[tilespmem:s15+$0x0 ss:$0x81] =	vst.msk $0xffff, v1;
	s13 =	sor.u32 $0x400, s13;
	s12 =	sadd.s32 s16, s12  }
0x13: {  	[hbm4b:s12+s13] =	stream.strided.scatter [tilespmem:s14], [sflag:$0x2], $0x2000, s8, s13, $0x20;
	[tilespmem:$0x8080] =	vst v63  }
.LBB1_5:
0x14: {  	s14 =	sadd.s32 $0x1, s9  }
0x15: {  	s12 =	sadd.s32 $0x1000, s10;
	s16 =	smov.u32 s10;
	p2 =	sgt.s32 s14, $0x31  }
0x16: {  	s16 =	smov.u32 @p2 s12  }
0x17: {  	s14 =	simm.s32 @p2 $0x0;
	p2 =	sgt.s32 s16, $0xFFF  }
0x18: {  	s16 =	smov.u32 @p2 s2;
	p2 =	sne.s32 s11, s7  }
.Ltmp1:
0x19: {  	p1 =	slt.u32 s11, $0x2;
	(pc) =	sbr.rel @!p2 .LBB1_6-.Ltmp1, $4  }
0x1a: {  	s15 =	simm.s32 @!p1 $0x2  }
0x1b: {  	s13 =	smov.u32 s10;
	p0 =	por !p0, !p0;
	_ =	swait.ge @!p1 [sflag:s15], $0x2000  }
0x1c: {  	s12 =	smov.u32 s9;
	[sflag:s15] =	ssyncset.done @!p1 $0x0;
	s9 =	smov.u32 s14  }
0x1d: {  	s11 =	sadd.s32 $0x1, s11;
	[sflag:s15] =	ssyncadd.s32 @!p1 $0xFFFFE000;
	s10 =	smov.u32 s16  }
.LBB1_1:
0x1e: {  	p1 =	sge.u32 s11, s5  }
0x1f: {  	s14 =	sand.u32 @!p1 $0x1FFFFFF, s9  }
0x20: {  	s15 =	smulhi.u32 @!p1 $0x4924925, s14;
	_ =	sdelay $0x1  }
0x21: {  	s15 =	smul.u32 @!p1 $0x38, s15  }
0x22: {  	s16 =	sxor.u32 @!p1 $0xFFFFFFFF, s11;
	s17 =	smul.u32 @!p1 $0x380, s10  }
0x23: {  	s31 =	sadd.s32 $0xFFFFFFFF, s11;
	s16 =	sshll.u32 @!p1 s16, $0xD;
	s14 =	ssub.s32 @!p1 s14, s15  }
0x24: {  	s15 =	sand.u32 @!p1 $0x2000, s16;
	s16 =	sadd.s32 @!p1 s6, s17;
	s14 =	sshll.u32 @!p1 s14, $0x4  }
0x25: {  	s17 =	simm.s32 @!p1 $0x1C00;
	s14 =	sadd.s32 @!p1 s14, s16;
	s16 =	simm.s32 @!p1 $0x40  }
0x26: {  	[tilespmem:s15], [sflag:$0x1] =	stream.strided.gather @!p1 [hbm4b:s14+s16], $0x2000, s17, s16, $0x38;
	[tilespmem:$0x8080] =	vst v63  }
0x27: {  	p1 =	sge.u32 s31, s5  }
.Ltmp2:
0x28: {  	_ = 	snop;
	(pc) =	sbr.rel @p1 .LBB1_5-.Ltmp2, $1  }
0x29: {  	_ =	sdelay $0x3  }
0x2a: {  	s14 =	simm.s32 $0x1  }
0x2b: {  	_ =	swait.ge [sflag:s4], $0x2000;
	s14 =	simm.s32 @!p0 $0x0  }
0x2c: {  	[sflag:s4] =	ssyncset.done $0x0;
	s15 =	sshll.u32 s14, $0xD  }
0x2d: {  	[sflag:s4] =	ssyncadd.s32 $0xFFFFE000;
	s18 =	sor.u32 $0x20, s15  }
0x2e: {  	s14 =	smul.u32 $0x8100, s14;
	v3 =	vld [tilespmem:s18+$0x10]  }
0x2f: {  	s30 =	sand.u32 $0x1, s11;
	v2 =	vld [tilespmem:s18+$0xFFFFFFF0]  }
0x30: {  	s15 =	smul.u32 $0x8100, s30;
	s14 =	sshrl.u32 s14, $0x2;
	v0 =	vld [tilespmem:s18+$0x0]  }
0x31: {  	v1 =	vld [tilespmem:s18+$0xFFFFFFE0];
	s16 =	sor.u32 $0x4000, s14  }
0x32: {  	s31 =	sshrl.u32 s15, $0x2;
	s15 =	sadd.s32 $0x0, s16  }
0x33: {  	s17 =	simm.s32 $0x4;
	s18 =	sadd.s32 $0x40, s18;
	s14 =	sor.u32 $0x4000, s31;
	[tilespmem:s15+$0x1830 ss:$0x81] =	vst.msk $0xffff, v3  }
.LBB1_3:
0x34: {  	v3 =	vld [tilespmem:s18+$0x10];
	p1 =	sne.s32 s17, $0x1FC;
	[tilespmem:s15+$0x810 ss:$0x81] =	vst.msk $0xffff, v2;
	s19 =	smov.u32 s17;
	s17 =	sadd.s32 $0x4, s17  }
.Ltmp3:
0x35: {  	v2 =	vld [tilespmem:s18+$0xFFFFFFF0];
	[tilespmem:s15+$0x1020 ss:$0x81] =	vst.msk $0xffff, v0;
	(pc) =	sbr.rel @p1 .LBB1_3-.Ltmp3, $4  }
0x36: {  	v0 =	vld [tilespmem:s18+$0x0];
	[tilespmem:s15+$0x0 ss:$0x81] =	vst.msk $0xffff, v1  }
0x37: {  	s15 =	sshra.s32 s19, $0x2;
	v1 =	vld [tilespmem:s18+$0xFFFFFFE0]  }
0x38: {  	s15 =	sadd.s32 s15, s16  }
0x39: {  	s18 =	sadd.s32 $0x40, s18;
	[tilespmem:s15+$0x1830 ss:$0x81] =	vst.msk $0xffff, v3  }
.Ltmp4:
0x3a: {  	_ = 	snop;
	(pc) =	sbr.rel .LBB1_4-.Ltmp4, $1  }
0x3b: {  	_ =	sdelay $0x3  }
.LBB1_6:
0x3c: {  	_ =	sfence.sel $0x180000  }
0x3d: {  	s2 =	simm.s32 $0x1;
	[bflag:$0x0] =	sbarrier.arrive $0xFFFF  }
0x3e: {  	s31 =	simm.s32 $0x2;
	[sflag:s2] =	ssyncpa.u1 $0x1  }
0x3f: {  	[sflag:s31] =	ssyncpa.u1 $0x1  }
0x40: {  	p0 =	sne.s32 s0, $0x0;
	_ =	strace $0x9000004D  }
0x41: {  	s0 =	sadd.s32 @!p0 $0x100000, s1;
	[bflag:$0x2] =	sbarrier.arrive $0xFFFF  }
0x42: {  	[sflag:s0] =	ssyncadd.tile.s32 @!p0 $0x1;
	_ =	shalt  }
.Lfunc_end1:
_tile_overlayer_lowered:
.L_overlay_start_2:
0x43: {  	(tag) =	ssettag $0x2  }
0x44: {  	s0 =	rddreg [dreg:$0x0];
	s2 =	stileid.u32  }
0x45: {  	s1 =	rddreg [dreg:$0x1];
	p0 =	sne.s32 s2, $0x0  }
0x46: {  	s3 =	rddreg [dreg:$0x2];
	[bflag:$0x3] =	sbarrier.arrive $0xFFFF;
	s2 =	simm.s32 @!p0 $0x1C01  }
0x47: {  	[timem:s3], [sflag:s2] =	dma.local @!p0 [hbm:s0], s1  }
0x48: {  	s0 =	simm.s32 @!p0 $0x1  }
0x49: {  	_ =	swait.ge @!p0 [sflag:s0], s1  }
0x4a: {  	s1 =	ssub.s32 @!p0 $0x0, s1;
	[sflag:s0] =	ssyncset.done @!p0 $0x0  }
0x4b: {  	[sflag:s0] =	ssyncadd.s32 @!p0 s1  }
0x4c: {  	[bflag:$0x3] =	sbarrier.arrive $0xFFFF  }
0x4d: {  	_ =	shalt  }

// kernel: sparse-core-data-format-call.cloned.1.call-start
scs
called_computation_lowered:
.L_overlay_start_0:
0x0: {  	s2 =	sld [smem:$0x3FD9]  }
0x1: {  	s3 =	sld [smem:$0x3FFE];
	_ =	sdelay $0x1  }
0x2: {  	s1 =	srdreg.scid  }
0x3: {  	s0 =	sand.u32 $0x1, s1  }
0x4: {  	s16 =	sshll.u32 s0, $0xA;
	s2 =	sadd.s32 s3, s2  }
0x5: {  	s2 =	sadd.s32 s2, s16  }
0x6: {  	[smem:$0x3FC4] =	sst s2  }
0x7: {  	_ = 	snop  }
0x8: {  	s2 =	sld [smem:$0x3FD0];
	_ =	sdelay $0x2  }
0x9: {  	s17 =	simm.s32 $0xB;
	s4 =	simm.s32 $0x10  }
0xa: {  	[smem:s4], [sflag:s17] =	dma.local [hbm:s2], $0x1  }
0xb: {  	_ =	swait.eq [sflag:s17], $0x1  }
0xc: {  	[sflag:s17] =	ssyncset.done $0x0  }
0xd: {  	[sflag:s17] =	ssyncadd.s32 $0xFFFFFFFF  }
0xe: {  	s18 =	sld [smem:$0x11];
	(tm) =	ssettm $0x1  }
0xf: {  	s19 =	sld [smem:$0x3FFB];
	_ =	sdelay $0x3  }
0x10: {  	_ =	strace s19  }
0x11: {  	s2 =	sld [smem:$0x3FFC];
	_ =	sdelay $0x3  }
0x12: {  	_ =	strace s2  }
0x13: {  	s2 =	sld [smem:$0x3FFD];
	_ =	sdelay $0x3  }
0x14: {  	_ =	strace s2  }
0x15: {  	_ =	strace $0x8FFFFFFF  }
0x16: {  	s20 =	sld [smem:$0x3FDB];
	_ =	sdelay $0x1  }
0x17: {  	s21 =	simm.s32 $_scs_section_size  }
0x18: {  	s5 =	simm.s32 $_size__tile_overlayer_lowered;
	s6 =	simm.s32 $_tile_overlayer_lowered  }
0x19: {  	s7 =	simm.s32 $0x1BFF;
	s22 =	sshll.u32 s6, $0x1;
	s4 =	sadd.s32 s21, s20  }
0x1a: {  	s23 =	simm.s32 $0x0;
	s5 =	sshll.u32 s5, $0x1;
	s6 =	sadd.s32 s22, s4  }
0x1b: {  	[timem:s23], [sflag:s7] =	dma.local [hbm:s6], s5  }
0x1c: {  	_ =	swait.ge [sflag:s7], s5  }
0x1d: {  	s5 =	ssub.s32 $0x0, s5;
	[sflag:s7] =	ssyncset.done $0x0  }
0x1e: {  	[sflag:s7] =	ssyncadd.s32 s5;
	_ =	sdelay $0x1  }
0x1f: {  	s24 =	simm.s32 $0x1B8B  }
0x20: {  	_ =	swait.ge [sflag:s24], $0x1  }
0x21: {  	[sflag:s24] =	ssyncset.done $0x0  }
0x22: {  	[sflag:s24] =	ssyncadd.s32 $0xFFFFFFFF  }
0x23: {  	s5 =	sld [smem:$0x0]  }
0x24: {  	s6 =	sand.u32 $0xFFFFFFFE, s1  }
0x25: {  	p0 =	sne.s32 s1, s6  }
0x26: {  	s6 =	sshll.u32 @p0 s6, $0xE  }
0x27: {  	s6 =	sadd.s32 @p0 $0x11B8D, s6;
	s7 =	sshll.u32 @p0 s5, $0x11  }
0x28: {  	s6 =	sor.u32 @p0 s7, s6  }
0x29: {  	[sflag:s6] =	ssyncadd.remote.s32 @p0 $0x1;
	_ =	sdelay $0x1  }
0x2a: {  	s6 =	simm.s32 @p0 $0x1B8D  }
0x2b: {  	_ =	swait.eq @p0 [sflag:s6], $0x1  }
0x2c: {  	[sflag:s6] =	ssyncadd.s32 @p0 $0xFFFFFFFF  }
0x2d: {  	s7 =	sshll.u32 @!p0 s1, $0xE  }
0x2e: {  	s7 =	sor.u32 @!p0 $0x4000, s7;
	s6 =	simm.s32 @!p0 $0x1B8D  }
0x2f: {  	s5 =	sshll.u32 @!p0 s5, $0x11;
	s7 =	sadd.s32 @!p0 $0x11B8D, s7;
	_ =	swait.eq @!p0 [sflag:s6], $0x1  }
0x30: {  	s5 =	sor.u32 @!p0 s5, s7;
	[sflag:s6] =	ssyncadd.s32 @!p0 $0xFFFFFFFF  }
0x31: {  	s26 =	simm.s32 $0x1B8E;
	s25 =	sld [smem:$0x3FFE];
	[sflag:s5] =	ssyncadd.remote.s32 @!p0 $0x1  }
0x32: {  	s27 =	simm.s32 $execute0_lowered;
	[smem:$0x3FD2] =	sst s26  }
0x33: {  	s6 =	sshll.u32 s27, $0x1;
	_ =	strace $0x8000004F;
	[dreg:$0x1] =	wrdreg $0xFFFFFFFF  }
0x34: {  	s28 =	simm.s32 $_size_execute0_lowered;
	s4 =	sadd.s32 s4, s6;
	[dreg:$0x0] =	wrdreg $0x0  }
0x35: {  	s6 =	sshll.u32 s28, $0x1;
	[dreg:$0x2] =	wrdreg s4  }
0x36: {  	[dreg:$0x3] =	wrdreg s6  }
0x37: {  	[dreg:$0x4] =	wrdreg $0xC0  }
0x38: {  	_ =	task [dreg:s23], $0x5FFFF  }
0x39: {  	[dreg:$0x1] =	wrdreg $0xFFFFFFFF  }
0x3a: {  	[dreg:$0x0] =	wrdreg $0x60  }
0x3b: {  	[dreg:$0x2] =	wrdreg s25  }
0x3c: {  	[dreg:$0x3] =	wrdreg s18  }
0x3d: {  	[dreg:$0x4] =	wrdreg $0xA  }
0x3e: {  	_ =	task.clear_ibuf [dreg:s23], $0x5FFFF;
	_ =	strace $0x9000004F  }
0x3f: {  	s29 =	simm.s32 $0xA;
	_ =	strace $0x80000051  }
0x40: {  	_ =	swait.ge [sflag:s29], $0x1  }
0x41: {  	[sflag:s29] =	ssyncadd.s32 $0xFFFFFFFF  }
0x42: {  	_ =	strace $0x90000051  }
0x43: {  	_ =	sfence  }
0x44: {  	s30 =	sld [smem:$0x0];
	_ =	sdelay $0x2  }
0x45: {  	s31 =	sshll.u32 s1, $0xD;
	s1 =	sshrl.u32 s1, $0x2  }
0x46: {  	s4 =	sand.u32 $0x4000, s31;
	s1 =	sadd.s32 s1, s30  }
0x47: {  	s0 =	sor.u32 s4, s0;
	s1 =	sshll.u32 s1, $0x11  }
0x48: {  	s0 =	sor.u32 s1, s0  }
0x49: {  	s0 =	sadd.s32 $0x8F2B, s0  }
0x4a: {  	[sflag:s0] =	ssyncadd.remote.s32 $0x1  }
0x4b: {  	_ =	sfence.sel $0xFFFF  }
0x4c: {  	[dreg:$0x0] =	wrdreg $0xFFFFFFFF;
	(pc) =	sbr.abs _section_cstart, $3  }
0x4d: {  	[dreg:$0x1] =	wrdreg $0xFFFFFFFF  }
0x4e: {  	_ =	task.clear_ibuf [dreg:s23], $0x2FFFF;
	_ =	strace $0x9FFFFFFF  }
0x4f: {  	(tm) =	ssettm $0x7FFFFFFF  }
tec
execute0_lowered:
.L_overlay_start_1:
0x0: {  	(tag) =	ssettag $0x1  }
0x1: {  	s0 =	srdreg.scid  }
0x2: {  	s1 =	sshll.u32 s0, $0x4  }
0x3: {  	s0 =	stileid.u32;
	s1 =	sand.u32 $0x10, s1  }
0x4: {  	s1 =	sor.u32 s0, s1  }
0x5: {  	s6 =	rddreg [dreg:$0x0];
	s4 =	simm.s32 $0x1;
	s2 =	sshll.u32 s1, $0x7  }
0x6: {  	s7 =	simm.s32 $0x2;
	s12 =	simm.s32 $0x0;
	s1 =	ssub.s32 $0x1000, s2  }
0x7: {  	s8 =	simm.s32 $0x8000;
	s13 =	simm.s32 $0x0;
	s3 =	sand.u32 $0xF80, s1  }
0x8: {  	s9 =	simm.s32 $0x0;
	s5 =	sshrl.u32 s1, $0xC;
	p0 =	sne.s32 s3, $0x0  }
.Ltmp0:
0x9: {  	s1 =	rddreg [dreg:$0x2];
	s4 =	simm.s32 @!p0 $0x0;
	(pc) =	sbr.rel .LBB1_1-.Ltmp0, $4  }
0xa: {  	s11 =	simm.s32 $0x0;
	s3 =	rddreg [dreg:$0x1];
	s5 =	sadd.s32 s4, s5  }
0xb: {  	_ =	strace $0x80000050;
	s4 =	simm.s32 $0x1;
	s5 =	smul.u32 $0x32, s5  }
0xc: {  	s6 =	sadd.s32 $0x517A00, s6;
	s10 =	smov.u32 s2;
	[sflag:s4] =	ssyncpa.u1 $0x0  }
0xd: {  	p0 =	por $0x0, $0x0;
	[sflag:s7] =	ssyncpa.u1 $0x0;
	s7 =	sor.u32 $0x1, s5  }
.LBB1_4:
0xe: {  	s16 =	sshll.u32 s13, $0x3;
	s17 =	sand.u32 $0x78, s13  }
0xf: {  	s30 =	sand.u32 $0x7E00, s13;
	s12 =	sshll.u32 s12, $0xF;
	s16 =	sand.u32 $0xC00, s16  }
0x10: {  	[tilespmem:s15+$0x810 ss:$0x81] =	vst.msk $0xffff, v2;
	s31 =	sand.u32 $0x7, s13;
	s16 =	sor.u32 s17, s16;
	s17 =	sadd.s32 s3, s30  }
0x11: {  	[tilespmem:s15+$0x1020 ss:$0x81] =	vst.msk $0xffff, v0;
	s13 =	sshll.u32 s31, $0x12;
	s12 =	sadd.s32 s12, s17;
	s16 =	sshrl.u32 s16, $0x3  }
0x12: {  	[tilespmem:s15+$0x0 ss:$0x81] =	vst.msk $0xffff, v1;
	s13 =	sor.u32 $0x400, s13;
	s12 =	sadd.s32 s16, s12  }
0x13: {  	[hbm4b:s12+s13] =	stream.strided.scatter [tilespmem:s14], [sflag:$0x2], $0x2000, s8, s13, $0x20;
	[tilespmem:$0x8080] =	vst v63  }
.LBB1_5:
0x14: {  	s14 =	sadd.s32 $0x1, s9  }
0x15: {  	s12 =	sadd.s32 $0x1000, s10;
	s16 =	smov.u32 s10;
	p2 =	sgt.s32 s14, $0x31  }
0x16: {  	s16 =	smov.u32 @p2 s12  }
0x17: {  	s14 =	simm.s32 @p2 $0x0;
	p2 =	sgt.s32 s16, $0xFFF  }
0x18: {  	s16 =	smov.u32 @p2 s2;
	p2 =	sne.s32 s11, s7  }
.Ltmp1:
0x19: {  	p1 =	slt.u32 s11, $0x2;
	(pc) =	sbr.rel @!p2 .LBB1_6-.Ltmp1, $4  }
0x1a: {  	s15 =	simm.s32 @!p1 $0x2  }
0x1b: {  	s13 =	smov.u32 s10;
	p0 =	por !p0, !p0;
	_ =	swait.ge @!p1 [sflag:s15], $0x2000  }
0x1c: {  	s12 =	smov.u32 s9;
	[sflag:s15] =	ssyncset.done @!p1 $0x0;
	s9 =	smov.u32 s14  }
0x1d: {  	s11 =	sadd.s32 $0x1, s11;
	[sflag:s15] =	ssyncadd.s32 @!p1 $0xFFFFE000;
	s10 =	smov.u32 s16  }
.LBB1_1:
0x1e: {  	p1 =	sge.u32 s11, s5  }
0x1f: {  	s14 =	sand.u32 @!p1 $0x1FFFFFF, s9  }
0x20: {  	s15 =	smulhi.u32 @!p1 $0x4924925, s14;
	_ =	sdelay $0x1  }
0x21: {  	s15 =	smul.u32 @!p1 $0x38, s15  }
0x22: {  	s16 =	sxor.u32 @!p1 $0xFFFFFFFF, s11;
	s17 =	smul.u32 @!p1 $0x380, s10  }
0x23: {  	s31 =	sadd.s32 $0xFFFFFFFF, s11;
	s16 =	sshll.u32 @!p1 s16, $0xD;
	s14 =	ssub.s32 @!p1 s14, s15  }
0x24: {  	s15 =	sand.u32 @!p1 $0x2000, s16;
	s16 =	sadd.s32 @!p1 s6, s17;
	s14 =	sshll.u32 @!p1 s14, $0x4  }
0x25: {  	s17 =	simm.s32 @!p1 $0x1C00;
	s14 =	sadd.s32 @!p1 s14, s16;
	s16 =	simm.s32 @!p1 $0x40  }
0x26: {  	[tilespmem:s15], [sflag:$0x1] =	stream.strided.gather @!p1 [hbm4b:s14+s16], $0x2000, s17, s16, $0x38;
	[tilespmem:$0x8080] =	vst v63  }
0x27: {  	p1 =	sge.u32 s31, s5  }
.Ltmp2:
0x28: {  	_ = 	snop;
	(pc) =	sbr.rel @p1 .LBB1_5-.Ltmp2, $1  }
0x29: {  	_ =	sdelay $0x3  }
0x2a: {  	s14 =	simm.s32 $0x1  }
0x2b: {  	_ =	swait.ge [sflag:s4], $0x2000;
	s14 =	simm.s32 @!p0 $0x0  }
0x2c: {  	[sflag:s4] =	ssyncset.done $0x0;
	s15 =	sshll.u32 s14, $0xD  }
0x2d: {  	[sflag:s4] =	ssyncadd.s32 $0xFFFFE000;
	s18 =	sor.u32 $0x20, s15  }
0x2e: {  	s14 =	smul.u32 $0x8100, s14;
	v3 =	vld [tilespmem:s18+$0x10]  }
0x2f: {  	s30 =	sand.u32 $0x1, s11;
	v2 =	vld [tilespmem:s18+$0xFFFFFFF0]  }
0x30: {  	s15 =	smul.u32 $0x8100, s30;
	s14 =	sshrl.u32 s14, $0x2;
	v0 =	vld [tilespmem:s18+$0x0]  }
0x31: {  	v1 =	vld [tilespmem:s18+$0xFFFFFFE0];
	s16 =	sor.u32 $0x4000, s14  }
0x32: {  	s31 =	sshrl.u32 s15, $0x2;
	s15 =	sadd.s32 $0x0, s16  }
0x33: {  	s17 =	simm.s32 $0x4;
	s18 =	sadd.s32 $0x40, s18;
	s14 =	sor.u32 $0x4000, s31;
	[tilespmem:s15+$0x1830 ss:$0x81] =	vst.msk $0xffff, v3  }
.LBB1_3:
0x34: {  	v3 =	vld [tilespmem:s18+$0x10];
	p1 =	sne.s32 s17, $0x1FC;
	[tilespmem:s15+$0x810 ss:$0x81] =	vst.msk $0xffff, v2;
	s19 =	smov.u32 s17;
	s17 =	sadd.s32 $0x4, s17  }
.Ltmp3:
0x35: {  	v2 =	vld [tilespmem:s18+$0xFFFFFFF0];
	[tilespmem:s15+$0x1020 ss:$0x81] =	vst.msk $0xffff, v0;
	(pc) =	sbr.rel @p1 .LBB1_3-.Ltmp3, $4  }
0x36: {  	v0 =	vld [tilespmem:s18+$0x0];
	[tilespmem:s15+$0x0 ss:$0x81] =	vst.msk $0xffff, v1  }
0x37: {  	s15 =	sshra.s32 s19, $0x2;
	v1 =	vld [tilespmem:s18+$0xFFFFFFE0]  }
0x38: {  	s15 =	sadd.s32 s15, s16  }
0x39: {  	s18 =	sadd.s32 $0x40, s18;
	[tilespmem:s15+$0x1830 ss:$0x81] =	vst.msk $0xffff, v3  }
.Ltmp4:
0x3a: {  	_ = 	snop;
	(pc) =	sbr.rel .LBB1_4-.Ltmp4, $1  }
0x3b: {  	_ =	sdelay $0x3  }
.LBB1_6:
0x3c: {  	_ =	sfence.sel $0x180000  }
0x3d: {  	s2 =	simm.s32 $0x1;
	[bflag:$0x0] =	sbarrier.arrive $0xFFFF  }
0x3e: {  	s31 =	simm.s32 $0x2;
	[sflag:s2] =	ssyncpa.u1 $0x1  }
0x3f: {  	[sflag:s31] =	ssyncpa.u1 $0x1  }
0x40: {  	p0 =	sne.s32 s0, $0x0;
	_ =	strace $0x90000050  }
0x41: {  	s0 =	sadd.s32 @!p0 $0x100000, s1;
	[bflag:$0x2] =	sbarrier.arrive $0xFFFF  }
0x42: {  	[sflag:s0] =	ssyncadd.tile.s32 @!p0 $0x1;
	_ =	shalt  }
.Lfunc_end1:
_tile_overlayer_lowered:
.L_overlay_start_2:
0x43: {  	(tag) =	ssettag $0x2  }
0x44: {  	s0 =	rddreg [dreg:$0x0];
	s2 =	stileid.u32  }
0x45: {  	s1 =	rddreg [dreg:$0x1];
	p0 =	sne.s32 s2, $0x0  }
0x46: {  	s3 =	rddreg [dreg:$0x2];
	[bflag:$0x3] =	sbarrier.arrive $0xFFFF;
	s2 =	simm.s32 @!p0 $0x1C01  }
0x47: {  	[timem:s3], [sflag:s2] =	dma.local @!p0 [hbm:s0], s1  }
0x48: {  	s0 =	simm.s32 @!p0 $0x1  }
0x49: {  	_ =	swait.ge @!p0 [sflag:s0], s1  }
0x4a: {  	s1 =	ssub.s32 @!p0 $0x0, s1;
	[sflag:s0] =	ssyncset.done @!p0 $0x0  }
0x4b: {  	[sflag:s0] =	ssyncadd.s32 @!p0 s1  }
0x4c: {  	[bflag:$0x3] =	sbarrier.arrive $0xFFFF  }
0x4d: {  	_ =	shalt  }

</sc_bundles>
